<compile_context>
chip_gen: v7x
topology: tpu7x:2x2x1
jax: 0.10.2.dev20260603
libtpu: 0.0.44.dev20260713+nightly
codegen_flags: <defaults>
</compile_context>

<pallas_src>
import functools

import jax
import jax.numpy as jnp
from jax import lax
from jax.experimental import pallas as pl
from jax.experimental.pallas import tpu as pltpu
from jax.experimental.pallas import tpu_sc as plsc

NC = 2
NS = 16
NW = NC * NS

SAMPLES_PER_CHUNK = 16


@functools.partial(jax.jit, static_argnames=("batch", "hist", "d"))
def _emb_lookup(indices, weight, batch, hist, d):
    s_per_w = batch // NW
    n_chunks = s_per_w // SAMPLES_PER_CHUNK
    n_outer = n_chunks // 2
    mesh = plsc.VectorSubcoreMesh(core_axis_name="c", subcore_axis_name="s")

    @functools.partial(
        pl.kernel,
        mesh=mesh,
        out_type=jax.ShapeDtypeStruct((batch, hist, d), jnp.float32),
        compiler_params=pltpu.CompilerParams(use_tc_tiling_on_sc=False),
        scratch_types=(
            [pltpu.VMEM((SAMPLES_PER_CHUNK, hist), jnp.int32)
             for _ in range(2)]
            + [pltpu.VMEM((SAMPLES_PER_CHUNK, hist, d), jnp.float32)
               for _ in range(2)]
            + [pltpu.SemaphoreType.DMA for _ in range(4)]
        ),
    )
    def k(idx_hbm, table_hbm, out_hbm, *scratch):
        idx_v = scratch[0:2]
        rows_v = scratch[2:4]
        g_sem = scratch[4:6]
        o_sem = scratch[6:8]

        wid = lax.axis_index("s") * NC + lax.axis_index("c")
        base_s = wid * s_per_w

        def load_idx(c, s):
            off = pl.multiple_of(
                base_s + c * SAMPLES_PER_CHUNK, SAMPLES_PER_CHUNK)
            pltpu.sync_copy(idx_hbm.at[pl.ds(off, SAMPLES_PER_CHUNK)],
                            idx_v[s])

        def fire_gathers(s):
            for j in range(SAMPLES_PER_CHUNK):
                pltpu.async_copy(
                    table_hbm.at[idx_v[s].at[j]],
                    rows_v[s].at[j],
                    g_sem[s],
                )

        def drain_gathers(s):
            for j in range(SAMPLES_PER_CHUNK):
                pltpu.make_async_copy(
                    table_hbm.at[idx_v[s].at[j]],
                    rows_v[s].at[j],
                    g_sem[s],
                ).wait()

        def fire_store(c, s):
            off = pl.multiple_of(
                base_s + c * SAMPLES_PER_CHUNK, SAMPLES_PER_CHUNK)
            pltpu.async_copy(
                rows_v[s], out_hbm.at[pl.ds(off, SAMPLES_PER_CHUNK)],
                o_sem[s])

        def drain_store(c, s):
            off = pl.multiple_of(
                base_s + c * SAMPLES_PER_CHUNK, SAMPLES_PER_CHUNK)
            pltpu.make_async_copy(
                rows_v[s], out_hbm.at[pl.ds(off, SAMPLES_PER_CHUNK)],
                o_sem[s]).wait()

        for s in range(2):
            load_idx(s, s)
            fire_gathers(s)

        def body(g, carry):
            c0 = g * 2
            for s in range(2):
                drain_gathers(s)
                fire_store(c0 + s, s)

            for s in range(2):
                @pl.when(c0 + s + 2 < n_chunks)
                def _():
                    load_idx(c0 + s + 2, s)
                    drain_store(c0 + s, s)
                    fire_gathers(s)

                @pl.when(c0 + s + 2 >= n_chunks)
                def _():
                    drain_store(c0 + s, s)

            return carry

        lax.fori_loop(0, n_outer, body, 0)

    return k(indices, weight)


def kernel(indices, weight):
    batch, hist = indices.shape
    _, d = weight.shape
    return _emb_lookup(indices.astype(jnp.int32), weight, batch, hist, d)

# --- scband reference (transcript-rebuilt; emitter-appended) ---
"""Pipeline reference for scband-embedding-34961033789991 (READ-ONLY COPY).

The authoritative reference and input builder live on the scoring server;
editing this copy changes nothing except your own understanding.
"""

import jax, jax.numpy as jnp
import numpy as np

COUNT = 1000000
SIZE = 64
BATCH = 16384
HIST = 50

def setup_inputs(seed: int = 0) -> dict:
    key = jax.random.key(seed)
    k_idx, k_w = jax.random.split(key)
    indices = jax.random.randint(k_idx, (BATCH, HIST), 0, COUNT, dtype=jnp.int64 if jax.config.jax_enable_x64 else jnp.int32)
    weight = jax.random.normal(k_w, (COUNT, SIZE), dtype=jnp.float32)
    return {"indices": indices, "weight": weight}

def reference(indices, weight):
    # nn.Embedding forward: gather rows of the weight table
    return jnp.take(weight, indices, axis=0)

if __name__ == "__main__":
    import jax
    _d = setup_inputs()
    print(jax.jit(kernel)(*tuple(_d.values())))

</pallas_src>

<mosaic_0001>
#map = affine_map<(d0, d1) -> (0, 0)>
#map1 = affine_map<(d0, d1) -> (0, 0, 0)>
module attributes {stable_mosaic.version = 14 : i64} {
  func.func @k(%arg0: i32, %arg1: i32, %arg2: memref<16384x50xi32, #tpu.memory_space<hbm>>, %arg3: memref<1000000x64xf32, #tpu.memory_space<hbm>>, %arg4: memref<16384x50x64xf32, #tpu.memory_space<hbm>>, %arg5: memref<16x50xi32, #tpu.memory_space<vmem>>, %arg6: memref<16x50xi32, #tpu.memory_space<vmem>>, %arg7: memref<16x50x64xf32, #tpu.memory_space<vmem>>, %arg8: memref<16x50x64xf32, #tpu.memory_space<vmem>>, %arg9: memref<!tpu.dma_semaphore, #tpu.memory_space<semaphore_mem>>, %arg10: memref<!tpu.dma_semaphore, #tpu.memory_space<semaphore_mem>>, %arg11: memref<!tpu.dma_semaphore, #tpu.memory_space<semaphore_mem>>, %arg12: memref<!tpu.dma_semaphore, #tpu.memory_space<semaphore_mem>>) attributes {dimension_semantics = [#tpu.dimension_semantics<core_parallel>, #tpu.dimension_semantics<subcore_parallel>], iteration_bounds = array<i64: 2, 16>, scalar_prefetch = 0 : i64, scratch_operands = 8 : i64, tpu.core_type = #tpu.core_type<sc_vector_subcore>, window_params = [{transform_indices = #map}, {transform_indices = #map}, {transform_indices = #map1}]} {
    %mul3A = arith.constant 2 : i32
    %mul3A_0 = arith.muli %arg1, %mul3A : i32
    %add3A = arith.addi %mul3A_0, %arg0 : i32
    %mul3A_1 = arith.constant 512 : i32
    %mul3A_2 = arith.muli %add3A, %mul3A_1 : i32
    %add3A_3 = arith.constant 0 : i32
    %add3A_4 = arith.addi %mul3A_2, %add3A_3 : i32
    %multiple_of3A = tpu.assume_multiple %add3A_4, 16 : i32
    "tpu.region"() ({
      %run_scoped3A = tpu.sem_alloc : memref<!tpu.dma_semaphore, #tpu.memory_space<semaphore_mem>>
      %dma_start3A_396 = arith.constant 0 : i32
      %dma_start3A_397 = tpu.memref_slice %arg2[%multiple_of3A, %dma_start3A_396] : memref<16384x50xi32, #tpu.memory_space<hbm>> -> memref<16x50xi32, #tpu.memory_space<hbm>>
      %dma_start3A_398 = arith.constant 0 : i32
      %dma_start3A_399 = tpu.memref_slice %arg2[%multiple_of3A, %dma_start3A_398] : memref<16384x50xi32, #tpu.memory_space<hbm>> -> memref<16x50xi32, #tpu.memory_space<hbm>>
      tpu.enqueue_dma source(%dma_start3A_399 : memref<16x50xi32, #tpu.memory_space<hbm>>) target(%arg5 : memref<16x50xi32, #tpu.memory_space<vmem>>) target_semaphore(%run_scoped3A : memref<!tpu.dma_semaphore, #tpu.memory_space<semaphore_mem>>)
      %dma_wait3A = arith.constant 0 : i32
      %dma_wait3A_400 = tpu.memref_slice %arg2[%multiple_of3A, %dma_wait3A] : memref<16384x50xi32, #tpu.memory_space<hbm>> -> memref<16x50xi32, #tpu.memory_space<hbm>>
      %dma_wait3A_401 = arith.constant 0 : i32
      %dma_wait3A_402 = tpu.memref_slice %arg2[%multiple_of3A, %dma_wait3A_401] : memref<16384x50xi32, #tpu.memory_space<hbm>> -> memref<16x50xi32, #tpu.memory_space<hbm>>
      tpu.wait_dma2 semaphore(%run_scoped3A : memref<!tpu.dma_semaphore, #tpu.memory_space<semaphore_mem>>) src(%dma_wait3A_402 : memref<16x50xi32, #tpu.memory_space<hbm>>) dst(%arg5 : memref<16x50xi32, #tpu.memory_space<vmem>>)
      tpu.yield
    }) : () -> ()
    %dma_start3A = arith.constant 0 : i32
    %dma_start3A_5 = arith.constant 0 : i32
    %dma_start3A_6 = arith.constant 0 : i32
    %dma_start3A_7 = arith.constant 0 : i32
    %dma_start3A_8 = tpu.memref_slice %arg7[%dma_start3A_5, %dma_start3A_6, %dma_start3A_7] : memref<16x50x64xf32, #tpu.memory_space<vmem>> -> memref<1x50x64xf32, #tpu.memory_space<vmem>>
    %dma_start3A_9 = tpu.memref_squeeze %dma_start3A_8 : memref<1x50x64xf32, #tpu.memory_space<vmem>> -> memref<50x64xf32, #tpu.memory_space<vmem>>
    %dma_start3A_10 = arith.constant 0 : i32
    %dma_start3A_11 = tpu.memref_slice %arg5[%dma_start3A, %dma_start3A_10] : memref<16x50xi32, #tpu.memory_space<vmem>> -> memref<1x50xi32, #tpu.memory_space<vmem>>
    %dma_start3A_12 = tpu.memref_squeeze %dma_start3A_11 : memref<1x50xi32, #tpu.memory_space<vmem>> -> memref<50xi32, #tpu.memory_space<vmem>>
    %dma_start3A_13 = arith.constant 0 : i32
    %dma_start3A_14 = arith.constant 0 : i32
    %dma_start3A_15 = tpu.memref_slice %arg3[%dma_start3A_13, %dma_start3A_14] : memref<1000000x64xf32, #tpu.memory_space<hbm>> -> memref<1000000x64xf32, #tpu.memory_space<hbm>>
    tpu.enqueue_indirect_dma source(%dma_start3A_15 : memref<1000000x64xf32, #tpu.memory_space<hbm>>) target(%dma_start3A_9 : memref<50x64xf32, #tpu.memory_space<vmem>>) offsets(%dma_start3A_12 : memref<50xi32, #tpu.memory_space<vmem>>) semaphore(%arg9 : memref<!tpu.dma_semaphore, #tpu.memory_space<semaphore_mem>>)
    %dma_start3A_16 = arith.constant 1 : i32
    %dma_start3A_17 = arith.constant 1 : i32
    %dma_start3A_18 = arith.constant 0 : i32
    %dma_start3A_19 = arith.constant 0 : i32
    %dma_start3A_20 = tpu.memref_slice %arg7[%dma_start3A_17, %dma_start3A_18, %dma_start3A_19] : memref<16x50x64xf32, #tpu.memory_space<vmem>> -> memref<1x50x64xf32, #tpu.memory_space<vmem>>
    %dma_start3A_21 = tpu.memref_squeeze %dma_start3A_20 : memref<1x50x64xf32, #tpu.memory_space<vmem>> -> memref<50x64xf32, #tpu.memory_space<vmem>>
    %dma_start3A_22 = arith.constant 0 : i32
    %dma_start3A_23 = tpu.memref_slice %arg5[%dma_start3A_16, %dma_start3A_22] : memref<16x50xi32, #tpu.memory_space<vmem>> -> memref<1x50xi32, #tpu.memory_space<vmem>>
    %dma_start3A_24 = tpu.memref_squeeze %dma_start3A_23 : memref<1x50xi32, #tpu.memory_space<vmem>> -> memref<50xi32, #tpu.memory_space<vmem>>
    %dma_start3A_25 = arith.constant 0 : i32
    %dma_start3A_26 = arith.constant 0 : i32
    %dma_start3A_27 = tpu.memref_slice %arg3[%dma_start3A_25, %dma_start3A_26] : memref<1000000x64xf32, #tpu.memory_space<hbm>> -> memref<1000000x64xf32, #tpu.memory_space<hbm>>
    tpu.enqueue_indirect_dma source(%dma_start3A_27 : memref<1000000x64xf32, #tpu.memory_space<hbm>>) target(%dma_start3A_21 : memref<50x64xf32, #tpu.memory_space<vmem>>) offsets(%dma_start3A_24 : memref<50xi32, #tpu.memory_space<vmem>>) semaphore(%arg9 : memref<!tpu.dma_semaphore, #tpu.memory_space<semaphore_mem>>)
    %dma_start3A_28 = arith.constant 2 : i32
    %dma_start3A_29 = arith.constant 2 : i32
    %dma_start3A_30 = arith.constant 0 : i32
    %dma_start3A_31 = arith.constant 0 : i32
    %dma_start3A_32 = tpu.memref_slice %arg7[%dma_start3A_29, %dma_start3A_30, %dma_start3A_31] : memref<16x50x64xf32, #tpu.memory_space<vmem>> -> memref<1x50x64xf32, #tpu.memory_space<vmem>>
    %dma_start3A_33 = tpu.memref_squeeze %dma_start3A_32 : memref<1x50x64xf32, #tpu.memory_space<vmem>> -> memref<50x64xf32, #tpu.memory_space<vmem>>
    %dma_start3A_34 = arith.constant 0 : i32
    %dma_start3A_35 = tpu.memref_slice %arg5[%dma_start3A_28, %dma_start3A_34] : memref<16x50xi32, #tpu.memory_space<vmem>> -> memref<1x50xi32, #tpu.memory_space<vmem>>
    %dma_start3A_36 = tpu.memref_squeeze %dma_start3A_35 : memref<1x50xi32, #tpu.memory_space<vmem>> -> memref<50xi32, #tpu.memory_space<vmem>>
    %dma_start3A_37 = arith.constant 0 : i32
    %dma_start3A_38 = arith.constant 0 : i32
    %dma_start3A_39 = tpu.memref_slice %arg3[%dma_start3A_37, %dma_start3A_38] : memref<1000000x64xf32, #tpu.memory_space<hbm>> -> memref<1000000x64xf32, #tpu.memory_space<hbm>>
    tpu.enqueue_indirect_dma source(%dma_start3A_39 : memref<1000000x64xf32, #tpu.memory_space<hbm>>) target(%dma_start3A_33 : memref<50x64xf32, #tpu.memory_space<vmem>>) offsets(%dma_start3A_36 : memref<50xi32, #tpu.memory_space<vmem>>) semaphore(%arg9 : memref<!tpu.dma_semaphore, #tpu.memory_space<semaphore_mem>>)
    %dma_start3A_40 = arith.constant 3 : i32
    %dma_start3A_41 = arith.constant 3 : i32
    %dma_start3A_42 = arith.constant 0 : i32
    %dma_start3A_43 = arith.constant 0 : i32
    %dma_start3A_44 = tpu.memref_slice %arg7[%dma_start3A_41, %dma_start3A_42, %dma_start3A_43] : memref<16x50x64xf32, #tpu.memory_space<vmem>> -> memref<1x50x64xf32, #tpu.memory_space<vmem>>
    %dma_start3A_45 = tpu.memref_squeeze %dma_start3A_44 : memref<1x50x64xf32, #tpu.memory_space<vmem>> -> memref<50x64xf32, #tpu.memory_space<vmem>>
    %dma_start3A_46 = arith.constant 0 : i32
    %dma_start3A_47 = tpu.memref_slice %arg5[%dma_start3A_40, %dma_start3A_46] : memref<16x50xi32, #tpu.memory_space<vmem>> -> memref<1x50xi32, #tpu.memory_space<vmem>>
    %dma_start3A_48 = tpu.memref_squeeze %dma_start3A_47 : memref<1x50xi32, #tpu.memory_space<vmem>> -> memref<50xi32, #tpu.memory_space<vmem>>
    %dma_start3A_49 = arith.constant 0 : i32
    %dma_start3A_50 = arith.constant 0 : i32
    %dma_start3A_51 = tpu.memref_slice %arg3[%dma_start3A_49, %dma_start3A_50] : memref<1000000x64xf32, #tpu.memory_space<hbm>> -> memref<1000000x64xf32, #tpu.memory_space<hbm>>
    tpu.enqueue_indirect_dma source(%dma_start3A_51 : memref<1000000x64xf32, #tpu.memory_space<hbm>>) target(%dma_start3A_45 : memref<50x64xf32, #tpu.memory_space<vmem>>) offsets(%dma_start3A_48 : memref<50xi32, #tpu.memory_space<vmem>>) semaphore(%arg9 : memref<!tpu.dma_semaphore, #tpu.memory_space<semaphore_mem>>)
    %dma_start3A_52 = arith.constant 4 : i32
    %dma_start3A_53 = arith.constant 4 : i32
    %dma_start3A_54 = arith.constant 0 : i32
    %dma_start3A_55 = arith.constant 0 : i32
    %dma_start3A_56 = tpu.memref_slice %arg7[%dma_start3A_53, %dma_start3A_54, %dma_start3A_55] : memref<16x50x64xf32, #tpu.memory_space<vmem>> -> memref<1x50x64xf32, #tpu.memory_space<vmem>>
    %dma_start3A_57 = tpu.memref_squeeze %dma_start3A_56 : memref<1x50x64xf32, #tpu.memory_space<vmem>> -> memref<50x64xf32, #tpu.memory_space<vmem>>
    %dma_start3A_58 = arith.constant 0 : i32
    %dma_start3A_59 = tpu.memref_slice %arg5[%dma_start3A_52, %dma_start3A_58] : memref<16x50xi32, #tpu.memory_space<vmem>> -> memref<1x50xi32, #tpu.memory_space<vmem>>
    %dma_start3A_60 = tpu.memref_squeeze %dma_start3A_59 : memref<1x50xi32, #tpu.memory_space<vmem>> -> memref<50xi32, #tpu.memory_space<vmem>>
    %dma_start3A_61 = arith.constant 0 : i32
    %dma_start3A_62 = arith.constant 0 : i32
    %dma_start3A_63 = tpu.memref_slice %arg3[%dma_start3A_61, %dma_start3A_62] : memref<1000000x64xf32, #tpu.memory_space<hbm>> -> memref<1000000x64xf32, #tpu.memory_space<hbm>>
    tpu.enqueue_indirect_dma source(%dma_start3A_63 : memref<1000000x64xf32, #tpu.memory_space<hbm>>) target(%dma_start3A_57 : memref<50x64xf32, #tpu.memory_space<vmem>>) offsets(%dma_start3A_60 : memref<50xi32, #tpu.memory_space<vmem>>) semaphore(%arg9 : memref<!tpu.dma_semaphore, #tpu.memory_space<semaphore_mem>>)
    %dma_start3A_64 = arith.constant 5 : i32
    %dma_start3A_65 = arith.constant 5 : i32
    %dma_start3A_66 = arith.constant 0 : i32
    %dma_start3A_67 = arith.constant 0 : i32
    %dma_start3A_68 = tpu.memref_slice %arg7[%dma_start3A_65, %dma_start3A_66, %dma_start3A_67] : memref<16x50x64xf32, #tpu.memory_space<vmem>> -> memref<1x50x64xf32, #tpu.memory_space<vmem>>
    %dma_start3A_69 = tpu.memref_squeeze %dma_start3A_68 : memref<1x50x64xf32, #tpu.memory_space<vmem>> -> memref<50x64xf32, #tpu.memory_space<vmem>>
    %dma_start3A_70 = arith.constant 0 : i32
    %dma_start3A_71 = tpu.memref_slice %arg5[%dma_start3A_64, %dma_start3A_70] : memref<16x50xi32, #tpu.memory_space<vmem>> -> memref<1x50xi32, #tpu.memory_space<vmem>>
    %dma_start3A_72 = tpu.memref_squeeze %dma_start3A_71 : memref<1x50xi32, #tpu.memory_space<vmem>> -> memref<50xi32, #tpu.memory_space<vmem>>
    %dma_start3A_73 = arith.constant 0 : i32
    %dma_start3A_74 = arith.constant 0 : i32
    %dma_start3A_75 = tpu.memref_slice %arg3[%dma_start3A_73, %dma_start3A_74] : memref<1000000x64xf32, #tpu.memory_space<hbm>> -> memref<1000000x64xf32, #tpu.memory_space<hbm>>
    tpu.enqueue_indirect_dma source(%dma_start3A_75 : memref<1000000x64xf32, #tpu.memory_space<hbm>>) target(%dma_start3A_69 : memref<50x64xf32, #tpu.memory_space<vmem>>) offsets(%dma_start3A_72 : memref<50xi32, #tpu.memory_space<vmem>>) semaphore(%arg9 : memref<!tpu.dma_semaphore, #tpu.memory_space<semaphore_mem>>)
    %dma_start3A_76 = arith.constant 6 : i32
    %dma_start3A_77 = arith.constant 6 : i32
    %dma_start3A_78 = arith.constant 0 : i32
    %dma_start3A_79 = arith.constant 0 : i32
    %dma_start3A_80 = tpu.memref_slice %arg7[%dma_start3A_77, %dma_start3A_78, %dma_start3A_79] : memref<16x50x64xf32, #tpu.memory_space<vmem>> -> memref<1x50x64xf32, #tpu.memory_space<vmem>>
    %dma_start3A_81 = tpu.memref_squeeze %dma_start3A_80 : memref<1x50x64xf32, #tpu.memory_space<vmem>> -> memref<50x64xf32, #tpu.memory_space<vmem>>
    %dma_start3A_82 = arith.constant 0 : i32
    %dma_start3A_83 = tpu.memref_slice %arg5[%dma_start3A_76, %dma_start3A_82] : memref<16x50xi32, #tpu.memory_space<vmem>> -> memref<1x50xi32, #tpu.memory_space<vmem>>
    %dma_start3A_84 = tpu.memref_squeeze %dma_start3A_83 : memref<1x50xi32, #tpu.memory_space<vmem>> -> memref<50xi32, #tpu.memory_space<vmem>>
    %dma_start3A_85 = arith.constant 0 : i32
    %dma_start3A_86 = arith.constant 0 : i32
    %dma_start3A_87 = tpu.memref_slice %arg3[%dma_start3A_85, %dma_start3A_86] : memref<1000000x64xf32, #tpu.memory_space<hbm>> -> memref<1000000x64xf32, #tpu.memory_space<hbm>>
    tpu.enqueue_indirect_dma source(%dma_start3A_87 : memref<1000000x64xf32, #tpu.memory_space<hbm>>) target(%dma_start3A_81 : memref<50x64xf32, #tpu.memory_space<vmem>>) offsets(%dma_start3A_84 : memref<50xi32, #tpu.memory_space<vmem>>) semaphore(%arg9 : memref<!tpu.dma_semaphore, #tpu.memory_space<semaphore_mem>>)
    %dma_start3A_88 = arith.constant 7 : i32
    %dma_start3A_89 = arith.constant 7 : i32
    %dma_start3A_90 = arith.constant 0 : i32
    %dma_start3A_91 = arith.constant 0 : i32
    %dma_start3A_92 = tpu.memref_slice %arg7[%dma_start3A_89, %dma_start3A_90, %dma_start3A_91] : memref<16x50x64xf32, #tpu.memory_space<vmem>> -> memref<1x50x64xf32, #tpu.memory_space<vmem>>
    %dma_start3A_93 = tpu.memref_squeeze %dma_start3A_92 : memref<1x50x64xf32, #tpu.memory_space<vmem>> -> memref<50x64xf32, #tpu.memory_space<vmem>>
    %dma_start3A_94 = arith.constant 0 : i32
    %dma_start3A_95 = tpu.memref_slice %arg5[%dma_start3A_88, %dma_start3A_94] : memref<16x50xi32, #tpu.memory_space<vmem>> -> memref<1x50xi32, #tpu.memory_space<vmem>>
    %dma_start3A_96 = tpu.memref_squeeze %dma_start3A_95 : memref<1x50xi32, #tpu.memory_space<vmem>> -> memref<50xi32, #tpu.memory_space<vmem>>
    %dma_start3A_97 = arith.constant 0 : i32
    %dma_start3A_98 = arith.constant 0 : i32
    %dma_start3A_99 = tpu.memref_slice %arg3[%dma_start3A_97, %dma_start3A_98] : memref<1000000x64xf32, #tpu.memory_space<hbm>> -> memref<1000000x64xf32, #tpu.memory_space<hbm>>
    tpu.enqueue_indirect_dma source(%dma_start3A_99 : memref<1000000x64xf32, #tpu.memory_space<hbm>>) target(%dma_start3A_93 : memref<50x64xf32, #tpu.memory_space<vmem>>) offsets(%dma_start3A_96 : memref<50xi32, #tpu.memory_space<vmem>>) semaphore(%arg9 : memref<!tpu.dma_semaphore, #tpu.memory_space<semaphore_mem>>)
    %dma_start3A_100 = arith.constant 8 : i32
    %dma_start3A_101 = arith.constant 8 : i32
    %dma_start3A_102 = arith.constant 0 : i32
    %dma_start3A_103 = arith.constant 0 : i32
    %dma_start3A_104 = tpu.memref_slice %arg7[%dma_start3A_101, %dma_start3A_102, %dma_start3A_103] : memref<16x50x64xf32, #tpu.memory_space<vmem>> -> memref<1x50x64xf32, #tpu.memory_space<vmem>>
    %dma_start3A_105 = tpu.memref_squeeze %dma_start3A_104 : memref<1x50x64xf32, #tpu.memory_space<vmem>> -> memref<50x64xf32, #tpu.memory_space<vmem>>
    %dma_start3A_106 = arith.constant 0 : i32
    %dma_start3A_107 = tpu.memref_slice %arg5[%dma_start3A_100, %dma_start3A_106] : memref<16x50xi32, #tpu.memory_space<vmem>> -> memref<1x50xi32, #tpu.memory_space<vmem>>
    %dma_start3A_108 = tpu.memref_squeeze %dma_start3A_107 : memref<1x50xi32, #tpu.memory_space<vmem>> -> memref<50xi32, #tpu.memory_space<vmem>>
    %dma_start3A_109 = arith.constant 0 : i32
    %dma_start3A_110 = arith.constant 0 : i32
    %dma_start3A_111 = tpu.memref_slice %arg3[%dma_start3A_109, %dma_start3A_110] : memref<1000000x64xf32, #tpu.memory_space<hbm>> -> memref<1000000x64xf32, #tpu.memory_space<hbm>>
    tpu.enqueue_indirect_dma source(%dma_start3A_111 : memref<1000000x64xf32, #tpu.memory_space<hbm>>) target(%dma_start3A_105 : memref<50x64xf32, #tpu.memory_space<vmem>>) offsets(%dma_start3A_108 : memref<50xi32, #tpu.memory_space<vmem>>) semaphore(%arg9 : memref<!tpu.dma_semaphore, #tpu.memory_space<semaphore_mem>>)
    %dma_start3A_112 = arith.constant 9 : i32
    %dma_start3A_113 = arith.constant 9 : i32
    %dma_start3A_114 = arith.constant 0 : i32
    %dma_start3A_115 = arith.constant 0 : i32
    %dma_start3A_116 = tpu.memref_slice %arg7[%dma_start3A_113, %dma_start3A_114, %dma_start3A_115] : memref<16x50x64xf32, #tpu.memory_space<vmem>> -> memref<1x50x64xf32, #tpu.memory_space<vmem>>
    %dma_start3A_117 = tpu.memref_squeeze %dma_start3A_116 : memref<1x50x64xf32, #tpu.memory_space<vmem>> -> memref<50x64xf32, #tpu.memory_space<vmem>>
    %dma_start3A_118 = arith.constant 0 : i32
    %dma_start3A_119 = tpu.memref_slice %arg5[%dma_start3A_112, %dma_start3A_118] : memref<16x50xi32, #tpu.memory_space<vmem>> -> memref<1x50xi32, #tpu.memory_space<vmem>>
    %dma_start3A_120 = tpu.memref_squeeze %dma_start3A_119 : memref<1x50xi32, #tpu.memory_space<vmem>> -> memref<50xi32, #tpu.memory_space<vmem>>
    %dma_start3A_121 = arith.constant 0 : i32
    %dma_start3A_122 = arith.constant 0 : i32
    %dma_start3A_123 = tpu.memref_slice %arg3[%dma_start3A_121, %dma_start3A_122] : memref<1000000x64xf32, #tpu.memory_space<hbm>> -> memref<1000000x64xf32, #tpu.memory_space<hbm>>
    tpu.enqueue_indirect_dma source(%dma_start3A_123 : memref<1000000x64xf32, #tpu.memory_space<hbm>>) target(%dma_start3A_117 : memref<50x64xf32, #tpu.memory_space<vmem>>) offsets(%dma_start3A_120 : memref<50xi32, #tpu.memory_space<vmem>>) semaphore(%arg9 : memref<!tpu.dma_semaphore, #tpu.memory_space<semaphore_mem>>)
    %dma_start3A_124 = arith.constant 10 : i32
    %dma_start3A_125 = arith.constant 10 : i32
    %dma_start3A_126 = arith.constant 0 : i32
    %dma_start3A_127 = arith.constant 0 : i32
    %dma_start3A_128 = tpu.memref_slice %arg7[%dma_start3A_125, %dma_start3A_126, %dma_start3A_127] : memref<16x50x64xf32, #tpu.memory_space<vmem>> -> memref<1x50x64xf32, #tpu.memory_space<vmem>>
    %dma_start3A_129 = tpu.memref_squeeze %dma_start3A_128 : memref<1x50x64xf32, #tpu.memory_space<vmem>> -> memref<50x64xf32, #tpu.memory_space<vmem>>
    %dma_start3A_130 = arith.constant 0 : i32
    %dma_start3A_131 = tpu.memref_slice %arg5[%dma_start3A_124, %dma_start3A_130] : memref<16x50xi32, #tpu.memory_space<vmem>> -> memref<1x50xi32, #tpu.memory_space<vmem>>
    %dma_start3A_132 = tpu.memref_squeeze %dma_start3A_131 : memref<1x50xi32, #tpu.memory_space<vmem>> -> memref<50xi32, #tpu.memory_space<vmem>>
    %dma_start3A_133 = arith.constant 0 : i32
    %dma_start3A_134 = arith.constant 0 : i32
    %dma_start3A_135 = tpu.memref_slice %arg3[%dma_start3A_133, %dma_start3A_134] : memref<1000000x64xf32, #tpu.memory_space<hbm>> -> memref<1000000x64xf32, #tpu.memory_space<hbm>>
    tpu.enqueue_indirect_dma source(%dma_start3A_135 : memref<1000000x64xf32, #tpu.memory_space<hbm>>) target(%dma_start3A_129 : memref<50x64xf32, #tpu.memory_space<vmem>>) offsets(%dma_start3A_132 : memref<50xi32, #tpu.memory_space<vmem>>) semaphore(%arg9 : memref<!tpu.dma_semaphore, #tpu.memory_space<semaphore_mem>>)
    %dma_start3A_136 = arith.constant 11 : i32
    %dma_start3A_137 = arith.constant 11 : i32
    %dma_start3A_138 = arith.constant 0 : i32
    %dma_start3A_139 = arith.constant 0 : i32
    %dma_start3A_140 = tpu.memref_slice %arg7[%dma_start3A_137, %dma_start3A_138, %dma_start3A_139] : memref<16x50x64xf32, #tpu.memory_space<vmem>> -> memref<1x50x64xf32, #tpu.memory_space<vmem>>
    %dma_start3A_141 = tpu.memref_squeeze %dma_start3A_140 : memref<1x50x64xf32, #tpu.memory_space<vmem>> -> memref<50x64xf32, #tpu.memory_space<vmem>>
    %dma_start3A_142 = arith.constant 0 : i32
    %dma_start3A_143 = tpu.memref_slice %arg5[%dma_start3A_136, %dma_start3A_142] : memref<16x50xi32, #tpu.memory_space<vmem>> -> memref<1x50xi32, #tpu.memory_space<vmem>>
    %dma_start3A_144 = tpu.memref_squeeze %dma_start3A_143 : memref<1x50xi32, #tpu.memory_space<vmem>> -> memref<50xi32, #tpu.memory_space<vmem>>
    %dma_start3A_145 = arith.constant 0 : i32
    %dma_start3A_146 = arith.constant 0 : i32
    %dma_start3A_147 = tpu.memref_slice %arg3[%dma_start3A_145, %dma_start3A_146] : memref<1000000x64xf32, #tpu.memory_space<hbm>> -> memref<1000000x64xf32, #tpu.memory_space<hbm>>
    tpu.enqueue_indirect_dma source(%dma_start3A_147 : memref<1000000x64xf32, #tpu.memory_space<hbm>>) target(%dma_start3A_141 : memref<50x64xf32, #tpu.memory_space<vmem>>) offsets(%dma_start3A_144 : memref<50xi32, #tpu.memory_space<vmem>>) semaphore(%arg9 : memref<!tpu.dma_semaphore, #tpu.memory_space<semaphore_mem>>)
    %dma_start3A_148 = arith.constant 12 : i32
    %dma_start3A_149 = arith.constant 12 : i32
    %dma_start3A_150 = arith.constant 0 : i32
    %dma_start3A_151 = arith.constant 0 : i32
    %dma_start3A_152 = tpu.memref_slice %arg7[%dma_start3A_149, %dma_start3A_150, %dma_start3A_151] : memref<16x50x64xf32, #tpu.memory_space<vmem>> -> memref<1x50x64xf32, #tpu.memory_space<vmem>>
    %dma_start3A_153 = tpu.memref_squeeze %dma_start3A_152 : memref<1x50x64xf32, #tpu.memory_space<vmem>> -> memref<50x64xf32, #tpu.memory_space<vmem>>
    %dma_start3A_154 = arith.constant 0 : i32
    %dma_start3A_155 = tpu.memref_slice %arg5[%dma_start3A_148, %dma_start3A_154] : memref<16x50xi32, #tpu.memory_space<vmem>> -> memref<1x50xi32, #tpu.memory_space<vmem>>
    %dma_start3A_156 = tpu.memref_squeeze %dma_start3A_155 : memref<1x50xi32, #tpu.memory_space<vmem>> -> memref<50xi32, #tpu.memory_space<vmem>>
    %dma_start3A_157 = arith.constant 0 : i32
    %dma_start3A_158 = arith.constant 0 : i32
    %dma_start3A_159 = tpu.memref_slice %arg3[%dma_start3A_157, %dma_start3A_158] : memref<1000000x64xf32, #tpu.memory_space<hbm>> -> memref<1000000x64xf32, #tpu.memory_space<hbm>>
    tpu.enqueue_indirect_dma source(%dma_start3A_159 : memref<1000000x64xf32, #tpu.memory_space<hbm>>) target(%dma_start3A_153 : memref<50x64xf32, #tpu.memory_space<vmem>>) offsets(%dma_start3A_156 : memref<50xi32, #tpu.memory_space<vmem>>) semaphore(%arg9 : memref<!tpu.dma_semaphore, #tpu.memory_space<semaphore_mem>>)
    %dma_start3A_160 = arith.constant 13 : i32
    %dma_start3A_161 = arith.constant 13 : i32
    %dma_start3A_162 = arith.constant 0 : i32
    %dma_start3A_163 = arith.constant 0 : i32
    %dma_start3A_164 = tpu.memref_slice %arg7[%dma_start3A_161, %dma_start3A_162, %dma_start3A_163] : memref<16x50x64xf32, #tpu.memory_space<vmem>> -> memref<1x50x64xf32, #tpu.memory_space<vmem>>
    %dma_start3A_165 = tpu.memref_squeeze %dma_start3A_164 : memref<1x50x64xf32, #tpu.memory_space<vmem>> -> memref<50x64xf32, #tpu.memory_space<vmem>>
    %dma_start3A_166 = arith.constant 0 : i32
    %dma_start3A_167 = tpu.memref_slice %arg5[%dma_start3A_160, %dma_start3A_166] : memref<16x50xi32, #tpu.memory_space<vmem>> -> memref<1x50xi32, #tpu.memory_space<vmem>>
    %dma_start3A_168 = tpu.memref_squeeze %dma_start3A_167 : memref<1x50xi32, #tpu.memory_space<vmem>> -> memref<50xi32, #tpu.memory_space<vmem>>
    %dma_start3A_169 = arith.constant 0 : i32
    %dma_start3A_170 = arith.constant 0 : i32
    %dma_start3A_171 = tpu.memref_slice %arg3[%dma_start3A_169, %dma_start3A_170] : memref<1000000x64xf32, #tpu.memory_space<hbm>> -> memref<1000000x64xf32, #tpu.memory_space<hbm>>
    tpu.enqueue_indirect_dma source(%dma_start3A_171 : memref<1000000x64xf32, #tpu.memory_space<hbm>>) target(%dma_start3A_165 : memref<50x64xf32, #tpu.memory_space<vmem>>) offsets(%dma_start3A_168 : memref<50xi32, #tpu.memory_space<vmem>>) semaphore(%arg9 : memref<!tpu.dma_semaphore, #tpu.memory_space<semaphore_mem>>)
    %dma_start3A_172 = arith.constant 14 : i32
    %dma_start3A_173 = arith.constant 14 : i32
    %dma_start3A_174 = arith.constant 0 : i32
    %dma_start3A_175 = arith.constant 0 : i32
    %dma_start3A_176 = tpu.memref_slice %arg7[%dma_start3A_173, %dma_start3A_174, %dma_start3A_175] : memref<16x50x64xf32, #tpu.memory_space<vmem>> -> memref<1x50x64xf32, #tpu.memory_space<vmem>>
    %dma_start3A_177 = tpu.memref_squeeze %dma_start3A_176 : memref<1x50x64xf32, #tpu.memory_space<vmem>> -> memref<50x64xf32, #tpu.memory_space<vmem>>
    %dma_start3A_178 = arith.constant 0 : i32
    %dma_start3A_179 = tpu.memref_slice %arg5[%dma_start3A_172, %dma_start3A_178] : memref<16x50xi32, #tpu.memory_space<vmem>> -> memref<1x50xi32, #tpu.memory_space<vmem>>
    %dma_start3A_180 = tpu.memref_squeeze %dma_start3A_179 : memref<1x50xi32, #tpu.memory_space<vmem>> -> memref<50xi32, #tpu.memory_space<vmem>>
    %dma_start3A_181 = arith.constant 0 : i32
    %dma_start3A_182 = arith.constant 0 : i32
    %dma_start3A_183 = tpu.memref_slice %arg3[%dma_start3A_181, %dma_start3A_182] : memref<1000000x64xf32, #tpu.memory_space<hbm>> -> memref<1000000x64xf32, #tpu.memory_space<hbm>>
    tpu.enqueue_indirect_dma source(%dma_start3A_183 : memref<1000000x64xf32, #tpu.memory_space<hbm>>) target(%dma_start3A_177 : memref<50x64xf32, #tpu.memory_space<vmem>>) offsets(%dma_start3A_180 : memref<50xi32, #tpu.memory_space<vmem>>) semaphore(%arg9 : memref<!tpu.dma_semaphore, #tpu.memory_space<semaphore_mem>>)
    %dma_start3A_184 = arith.constant 15 : i32
    %dma_start3A_185 = arith.constant 15 : i32
    %dma_start3A_186 = arith.constant 0 : i32
    %dma_start3A_187 = arith.constant 0 : i32
    %dma_start3A_188 = tpu.memref_slice %arg7[%dma_start3A_185, %dma_start3A_186, %dma_start3A_187] : memref<16x50x64xf32, #tpu.memory_space<vmem>> -> memref<1x50x64xf32, #tpu.memory_space<vmem>>
    %dma_start3A_189 = tpu.memref_squeeze %dma_start3A_188 : memref<1x50x64xf32, #tpu.memory_space<vmem>> -> memref<50x64xf32, #tpu.memory_space<vmem>>
    %dma_start3A_190 = arith.constant 0 : i32
    %dma_start3A_191 = tpu.memref_slice %arg5[%dma_start3A_184, %dma_start3A_190] : memref<16x50xi32, #tpu.memory_space<vmem>> -> memref<1x50xi32, #tpu.memory_space<vmem>>
    %dma_start3A_192 = tpu.memref_squeeze %dma_start3A_191 : memref<1x50xi32, #tpu.memory_space<vmem>> -> memref<50xi32, #tpu.memory_space<vmem>>
    %dma_start3A_193 = arith.constant 0 : i32
    %dma_start3A_194 = arith.constant 0 : i32
    %dma_start3A_195 = tpu.memref_slice %arg3[%dma_start3A_193, %dma_start3A_194] : memref<1000000x64xf32, #tpu.memory_space<hbm>> -> memref<1000000x64xf32, #tpu.memory_space<hbm>>
    tpu.enqueue_indirect_dma source(%dma_start3A_195 : memref<1000000x64xf32, #tpu.memory_space<hbm>>) target(%dma_start3A_189 : memref<50x64xf32, #tpu.memory_space<vmem>>) offsets(%dma_start3A_192 : memref<50xi32, #tpu.memory_space<vmem>>) semaphore(%arg9 : memref<!tpu.dma_semaphore, #tpu.memory_space<semaphore_mem>>)
    %add3A_196 = arith.constant 16 : i32
    %add3A_197 = arith.addi %mul3A_2, %add3A_196 : i32
    %multiple_of3A_198 = tpu.assume_multiple %add3A_197, 16 : i32
    "tpu.region"() ({
      %run_scoped3A = tpu.sem_alloc : memref<!tpu.dma_semaphore, #tpu.memory_space<semaphore_mem>>
      %dma_start3A_396 = arith.constant 0 : i32
      %dma_start3A_397 = tpu.memref_slice %arg2[%multiple_of3A_198, %dma_start3A_396] : memref<16384x50xi32, #tpu.memory_space<hbm>> -> memref<16x50xi32, #tpu.memory_space<hbm>>
      %dma_start3A_398 = arith.constant 0 : i32
      %dma_start3A_399 = tpu.memref_slice %arg2[%multiple_of3A_198, %dma_start3A_398] : memref<16384x50xi32, #tpu.memory_space<hbm>> -> memref<16x50xi32, #tpu.memory_space<hbm>>
      tpu.enqueue_dma source(%dma_start3A_399 : memref<16x50xi32, #tpu.memory_space<hbm>>) target(%arg6 : memref<16x50xi32, #tpu.memory_space<vmem>>) target_semaphore(%run_scoped3A : memref<!tpu.dma_semaphore, #tpu.memory_space<semaphore_mem>>)
      %dma_wait3A = arith.constant 0 : i32
      %dma_wait3A_400 = tpu.memref_slice %arg2[%multiple_of3A_198, %dma_wait3A] : memref<16384x50xi32, #tpu.memory_space<hbm>> -> memref<16x50xi32, #tpu.memory_space<hbm>>
      %dma_wait3A_401 = arith.constant 0 : i32
      %dma_wait3A_402 = tpu.memref_slice %arg2[%multiple_of3A_198, %dma_wait3A_401] : memref<16384x50xi32, #tpu.memory_space<hbm>> -> memref<16x50xi32, #tpu.memory_space<hbm>>
      tpu.wait_dma2 semaphore(%run_scoped3A : memref<!tpu.dma_semaphore, #tpu.memory_space<semaphore_mem>>) src(%dma_wait3A_402 : memref<16x50xi32, #tpu.memory_space<hbm>>) dst(%arg6 : memref<16x50xi32, #tpu.memory_space<vmem>>)
      tpu.yield
    }) : () -> ()
    %dma_start3A_199 = arith.constant 0 : i32
    %dma_start3A_200 = arith.constant 0 : i32
    %dma_start3A_201 = arith.constant 0 : i32
    %dma_start3A_202 = arith.constant 0 : i32
    %dma_start3A_203 = tpu.memref_slice %arg8[%dma_start3A_200, %dma_start3A_201, %dma_start3A_202] : memref<16x50x64xf32, #tpu.memory_space<vmem>> -> memref<1x50x64xf32, #tpu.memory_space<vmem>>
    %dma_start3A_204 = tpu.memref_squeeze %dma_start3A_203 : memref<1x50x64xf32, #tpu.memory_space<vmem>> -> memref<50x64xf32, #tpu.memory_space<vmem>>
    %dma_start3A_205 = arith.constant 0 : i32
    %dma_start3A_206 = tpu.memref_slice %arg6[%dma_start3A_199, %dma_start3A_205] : memref<16x50xi32, #tpu.memory_space<vmem>> -> memref<1x50xi32, #tpu.memory_space<vmem>>
    %dma_start3A_207 = tpu.memref_squeeze %dma_start3A_206 : memref<1x50xi32, #tpu.memory_space<vmem>> -> memref<50xi32, #tpu.memory_space<vmem>>
    %dma_start3A_208 = arith.constant 0 : i32
    %dma_start3A_209 = arith.constant 0 : i32
    %dma_start3A_210 = tpu.memref_slice %arg3[%dma_start3A_208, %dma_start3A_209] : memref<1000000x64xf32, #tpu.memory_space<hbm>> -> memref<1000000x64xf32, #tpu.memory_space<hbm>>
    tpu.enqueue_indirect_dma source(%dma_start3A_210 : memref<1000000x64xf32, #tpu.memory_space<hbm>>) target(%dma_start3A_204 : memref<50x64xf32, #tpu.memory_space<vmem>>) offsets(%dma_start3A_207 : memref<50xi32, #tpu.memory_space<vmem>>) semaphore(%arg10 : memref<!tpu.dma_semaphore, #tpu.memory_space<semaphore_mem>>)
    %dma_start3A_211 = arith.constant 1 : i32
    %dma_start3A_212 = arith.constant 1 : i32
    %dma_start3A_213 = arith.constant 0 : i32
    %dma_start3A_214 = arith.constant 0 : i32
    %dma_start3A_215 = tpu.memref_slice %arg8[%dma_start3A_212, %dma_start3A_213, %dma_start3A_214] : memref<16x50x64xf32, #tpu.memory_space<vmem>> -> memref<1x50x64xf32, #tpu.memory_space<vmem>>
    %dma_start3A_216 = tpu.memref_squeeze %dma_start3A_215 : memref<1x50x64xf32, #tpu.memory_space<vmem>> -> memref<50x64xf32, #tpu.memory_space<vmem>>
    %dma_start3A_217 = arith.constant 0 : i32
    %dma_start3A_218 = tpu.memref_slice %arg6[%dma_start3A_211, %dma_start3A_217] : memref<16x50xi32, #tpu.memory_space<vmem>> -> memref<1x50xi32, #tpu.memory_space<vmem>>
    %dma_start3A_219 = tpu.memref_squeeze %dma_start3A_218 : memref<1x50xi32, #tpu.memory_space<vmem>> -> memref<50xi32, #tpu.memory_space<vmem>>
    %dma_start3A_220 = arith.constant 0 : i32
    %dma_start3A_221 = arith.constant 0 : i32
    %dma_start3A_222 = tpu.memref_slice %arg3[%dma_start3A_220, %dma_start3A_221] : memref<1000000x64xf32, #tpu.memory_space<hbm>> -> memref<1000000x64xf32, #tpu.memory_space<hbm>>
    tpu.enqueue_indirect_dma source(%dma_start3A_222 : memref<1000000x64xf32, #tpu.memory_space<hbm>>) target(%dma_start3A_216 : memref<50x64xf32, #tpu.memory_space<vmem>>) offsets(%dma_start3A_219 : memref<50xi32, #tpu.memory_space<vmem>>) semaphore(%arg10 : memref<!tpu.dma_semaphore, #tpu.memory_space<semaphore_mem>>)
    %dma_start3A_223 = arith.constant 2 : i32
    %dma_start3A_224 = arith.constant 2 : i32
    %dma_start3A_225 = arith.constant 0 : i32
    %dma_start3A_226 = arith.constant 0 : i32
    %dma_start3A_227 = tpu.memref_slice %arg8[%dma_start3A_224, %dma_start3A_225, %dma_start3A_226] : memref<16x50x64xf32, #tpu.memory_space<vmem>> -> memref<1x50x64xf32, #tpu.memory_space<vmem>>
    %dma_start3A_228 = tpu.memref_squeeze %dma_start3A_227 : memref<1x50x64xf32, #tpu.memory_space<vmem>> -> memref<50x64xf32, #tpu.memory_space<vmem>>
    %dma_start3A_229 = arith.constant 0 : i32
    %dma_start3A_230 = tpu.memref_slice %arg6[%dma_start3A_223, %dma_start3A_229] : memref<16x50xi32, #tpu.memory_space<vmem>> -> memref<1x50xi32, #tpu.memory_space<vmem>>
    %dma_start3A_231 = tpu.memref_squeeze %dma_start3A_230 : memref<1x50xi32, #tpu.memory_space<vmem>> -> memref<50xi32, #tpu.memory_space<vmem>>
    %dma_start3A_232 = arith.constant 0 : i32
    %dma_start3A_233 = arith.constant 0 : i32
    %dma_start3A_234 = tpu.memref_slice %arg3[%dma_start3A_232, %dma_start3A_233] : memref<1000000x64xf32, #tpu.memory_space<hbm>> -> memref<1000000x64xf32, #tpu.memory_space<hbm>>
    tpu.enqueue_indirect_dma source(%dma_start3A_234 : memref<1000000x64xf32, #tpu.memory_space<hbm>>) target(%dma_start3A_228 : memref<50x64xf32, #tpu.memory_space<vmem>>) offsets(%dma_start3A_231 : memref<50xi32, #tpu.memory_space<vmem>>) semaphore(%arg10 : memref<!tpu.dma_semaphore, #tpu.memory_space<semaphore_mem>>)
    %dma_start3A_235 = arith.constant 3 : i32
    %dma_start3A_236 = arith.constant 3 : i32
    %dma_start3A_237 = arith.constant 0 : i32
    %dma_start3A_238 = arith.constant 0 : i32
    %dma_start3A_239 = tpu.memref_slice %arg8[%dma_start3A_236, %dma_start3A_237, %dma_start3A_238] : memref<16x50x64xf32, #tpu.memory_space<vmem>> -> memref<1x50x64xf32, #tpu.memory_space<vmem>>
    %dma_start3A_240 = tpu.memref_squeeze %dma_start3A_239 : memref<1x50x64xf32, #tpu.memory_space<vmem>> -> memref<50x64xf32, #tpu.memory_space<vmem>>
    %dma_start3A_241 = arith.constant 0 : i32
    %dma_start3A_242 = tpu.memref_slice %arg6[%dma_start3A_235, %dma_start3A_241] : memref<16x50xi32, #tpu.memory_space<vmem>> -> memref<1x50xi32, #tpu.memory_space<vmem>>
    %dma_start3A_243 = tpu.memref_squeeze %dma_start3A_242 : memref<1x50xi32, #tpu.memory_space<vmem>> -> memref<50xi32, #tpu.memory_space<vmem>>
    %dma_start3A_244 = arith.constant 0 : i32
    %dma_start3A_245 = arith.constant 0 : i32
    %dma_start3A_246 = tpu.memref_slice %arg3[%dma_start3A_244, %dma_start3A_245] : memref<1000000x64xf32, #tpu.memory_space<hbm>> -> memref<1000000x64xf32, #tpu.memory_space<hbm>>
    tpu.enqueue_indirect_dma source(%dma_start3A_246 : memref<1000000x64xf32, #tpu.memory_space<hbm>>) target(%dma_start3A_240 : memref<50x64xf32, #tpu.memory_space<vmem>>) offsets(%dma_start3A_243 : memref<50xi32, #tpu.memory_space<vmem>>) semaphore(%arg10 : memref<!tpu.dma_semaphore, #tpu.memory_space<semaphore_mem>>)
    %dma_start3A_247 = arith.constant 4 : i32
    %dma_start3A_248 = arith.constant 4 : i32
    %dma_start3A_249 = arith.constant 0 : i32
    %dma_start3A_250 = arith.constant 0 : i32
    %dma_start3A_251 = tpu.memref_slice %arg8[%dma_start3A_248, %dma_start3A_249, %dma_start3A_250] : memref<16x50x64xf32, #tpu.memory_space<vmem>> -> memref<1x50x64xf32, #tpu.memory_space<vmem>>
    %dma_start3A_252 = tpu.memref_squeeze %dma_start3A_251 : memref<1x50x64xf32, #tpu.memory_space<vmem>> -> memref<50x64xf32, #tpu.memory_space<vmem>>
    %dma_start3A_253 = arith.constant 0 : i32
    %dma_start3A_254 = tpu.memref_slice %arg6[%dma_start3A_247, %dma_start3A_253] : memref<16x50xi32, #tpu.memory_space<vmem>> -> memref<1x50xi32, #tpu.memory_space<vmem>>
    %dma_start3A_255 = tpu.memref_squeeze %dma_start3A_254 : memref<1x50xi32, #tpu.memory_space<vmem>> -> memref<50xi32, #tpu.memory_space<vmem>>
    %dma_start3A_256 = arith.constant 0 : i32
    %dma_start3A_257 = arith.constant 0 : i32
    %dma_start3A_258 = tpu.memref_slice %arg3[%dma_start3A_256, %dma_start3A_257] : memref<1000000x64xf32, #tpu.memory_space<hbm>> -> memref<1000000x64xf32, #tpu.memory_space<hbm>>
    tpu.enqueue_indirect_dma source(%dma_start3A_258 : memref<1000000x64xf32, #tpu.memory_space<hbm>>) target(%dma_start3A_252 : memref<50x64xf32, #tpu.memory_space<vmem>>) offsets(%dma_start3A_255 : memref<50xi32, #tpu.memory_space<vmem>>) semaphore(%arg10 : memref<!tpu.dma_semaphore, #tpu.memory_space<semaphore_mem>>)
    %dma_start3A_259 = arith.constant 5 : i32
    %dma_start3A_260 = arith.constant 5 : i32
    %dma_start3A_261 = arith.constant 0 : i32
    %dma_start3A_262 = arith.constant 0 : i32
    %dma_start3A_263 = tpu.memref_slice %arg8[%dma_start3A_260, %dma_start3A_261, %dma_start3A_262] : memref<16x50x64xf32, #tpu.memory_space<vmem>> -> memref<1x50x64xf32, #tpu.memory_space<vmem>>
    %dma_start3A_264 = tpu.memref_squeeze %dma_start3A_263 : memref<1x50x64xf32, #tpu.memory_space<vmem>> -> memref<50x64xf32, #tpu.memory_space<vmem>>
    %dma_start3A_265 = arith.constant 0 : i32
    %dma_start3A_266 = tpu.memref_slice %arg6[%dma_start3A_259, %dma_start3A_265] : memref<16x50xi32, #tpu.memory_space<vmem>> -> memref<1x50xi32, #tpu.memory_space<vmem>>
    %dma_start3A_267 = tpu.memref_squeeze %dma_start3A_266 : memref<1x50xi32, #tpu.memory_space<vmem>> -> memref<50xi32, #tpu.memory_space<vmem>>
    %dma_start3A_268 = arith.constant 0 : i32
    %dma_start3A_269 = arith.constant 0 : i32
    %dma_start3A_270 = tpu.memref_slice %arg3[%dma_start3A_268, %dma_start3A_269] : memref<1000000x64xf32, #tpu.memory_space<hbm>> -> memref<1000000x64xf32, #tpu.memory_space<hbm>>
    tpu.enqueue_indirect_dma source(%dma_start3A_270 : memref<1000000x64xf32, #tpu.memory_space<hbm>>) target(%dma_start3A_264 : memref<50x64xf32, #tpu.memory_space<vmem>>) offsets(%dma_start3A_267 : memref<50xi32, #tpu.memory_space<vmem>>) semaphore(%arg10 : memref<!tpu.dma_semaphore, #tpu.memory_space<semaphore_mem>>)
    %dma_start3A_271 = arith.constant 6 : i32
    %dma_start3A_272 = arith.constant 6 : i32
    %dma_start3A_273 = arith.constant 0 : i32
    %dma_start3A_274 = arith.constant 0 : i32
    %dma_start3A_275 = tpu.memref_slice %arg8[%dma_start3A_272, %dma_start3A_273, %dma_start3A_274] : memref<16x50x64xf32, #tpu.memory_space<vmem>> -> memref<1x50x64xf32, #tpu.memory_space<vmem>>
    %dma_start3A_276 = tpu.memref_squeeze %dma_start3A_275 : memref<1x50x64xf32, #tpu.memory_space<vmem>> -> memref<50x64xf32, #tpu.memory_space<vmem>>
    %dma_start3A_277 = arith.constant 0 : i32
    %dma_start3A_278 = tpu.memref_slice %arg6[%dma_start3A_271, %dma_start3A_277] : memref<16x50xi32, #tpu.memory_space<vmem>> -> memref<1x50xi32, #tpu.memory_space<vmem>>
    %dma_start3A_279 = tpu.memref_squeeze %dma_start3A_278 : memref<1x50xi32, #tpu.memory_space<vmem>> -> memref<50xi32, #tpu.memory_space<vmem>>
    %dma_start3A_280 = arith.constant 0 : i32
    %dma_start3A_281 = arith.constant 0 : i32
    %dma_start3A_282 = tpu.memref_slice %arg3[%dma_start3A_280, %dma_start3A_281] : memref<1000000x64xf32, #tpu.memory_space<hbm>> -> memref<1000000x64xf32, #tpu.memory_space<hbm>>
    tpu.enqueue_indirect_dma source(%dma_start3A_282 : memref<1000000x64xf32, #tpu.memory_space<hbm>>) target(%dma_start3A_276 : memref<50x64xf32, #tpu.memory_space<vmem>>) offsets(%dma_start3A_279 : memref<50xi32, #tpu.memory_space<vmem>>) semaphore(%arg10 : memref<!tpu.dma_semaphore, #tpu.memory_space<semaphore_mem>>)
    %dma_start3A_283 = arith.constant 7 : i32
    %dma_start3A_284 = arith.constant 7 : i32
    %dma_start3A_285 = arith.constant 0 : i32
    %dma_start3A_286 = arith.constant 0 : i32
    %dma_start3A_287 = tpu.memref_slice %arg8[%dma_start3A_284, %dma_start3A_285, %dma_start3A_286] : memref<16x50x64xf32, #tpu.memory_space<vmem>> -> memref<1x50x64xf32, #tpu.memory_space<vmem>>
    %dma_start3A_288 = tpu.memref_squeeze %dma_start3A_287 : memref<1x50x64xf32, #tpu.memory_space<vmem>> -> memref<50x64xf32, #tpu.memory_space<vmem>>
    %dma_start3A_289 = arith.constant 0 : i32
    %dma_start3A_290 = tpu.memref_slice %arg6[%dma_start3A_283, %dma_start3A_289] : memref<16x50xi32, #tpu.memory_space<vmem>> -> memref<1x50xi32, #tpu.memory_space<vmem>>
    %dma_start3A_291 = tpu.memref_squeeze %dma_start3A_290 : memref<1x50xi32, #tpu.memory_space<vmem>> -> memref<50xi32, #tpu.memory_space<vmem>>
    %dma_start3A_292 = arith.constant 0 : i32
    %dma_start3A_293 = arith.constant 0 : i32
    %dma_start3A_294 = tpu.memref_slice %arg3[%dma_start3A_292, %dma_start3A_293] : memref<1000000x64xf32, #tpu.memory_space<hbm>> -> memref<1000000x64xf32, #tpu.memory_space<hbm>>
    tpu.enqueue_indirect_dma source(%dma_start3A_294 : memref<1000000x64xf32, #tpu.memory_space<hbm>>) target(%dma_start3A_288 : memref<50x64xf32, #tpu.memory_space<vmem>>) offsets(%dma_start3A_291 : memref<50xi32, #tpu.memory_space<vmem>>) semaphore(%arg10 : memref<!tpu.dma_semaphore, #tpu.memory_space<semaphore_mem>>)
    %dma_start3A_295 = arith.constant 8 : i32
    %dma_start3A_296 = arith.constant 8 : i32
    %dma_start3A_297 = arith.constant 0 : i32
    %dma_start3A_298 = arith.constant 0 : i32
    %dma_start3A_299 = tpu.memref_slice %arg8[%dma_start3A_296, %dma_start3A_297, %dma_start3A_298] : memref<16x50x64xf32, #tpu.memory_space<vmem>> -> memref<1x50x64xf32, #tpu.memory_space<vmem>>
    %dma_start3A_300 = tpu.memref_squeeze %dma_start3A_299 : memref<1x50x64xf32, #tpu.memory_space<vmem>> -> memref<50x64xf32, #tpu.memory_space<vmem>>
    %dma_start3A_301 = arith.constant 0 : i32
    %dma_start3A_302 = tpu.memref_slice %arg6[%dma_start3A_295, %dma_start3A_301] : memref<16x50xi32, #tpu.memory_space<vmem>> -> memref<1x50xi32, #tpu.memory_space<vmem>>
    %dma_start3A_303 = tpu.memref_squeeze %dma_start3A_302 : memref<1x50xi32, #tpu.memory_space<vmem>> -> memref<50xi32, #tpu.memory_space<vmem>>
    %dma_start3A_304 = arith.constant 0 : i32
    %dma_start3A_305 = arith.constant 0 : i32
    %dma_start3A_306 = tpu.memref_slice %arg3[%dma_start3A_304, %dma_start3A_305] : memref<1000000x64xf32, #tpu.memory_space<hbm>> -> memref<1000000x64xf32, #tpu.memory_space<hbm>>
    tpu.enqueue_indirect_dma source(%dma_start3A_306 : memref<1000000x64xf32, #tpu.memory_space<hbm>>) target(%dma_start3A_300 : memref<50x64xf32, #tpu.memory_space<vmem>>) offsets(%dma_start3A_303 : memref<50xi32, #tpu.memory_space<vmem>>) semaphore(%arg10 : memref<!tpu.dma_semaphore, #tpu.memory_space<semaphore_mem>>)
    %dma_start3A_307 = arith.constant 9 : i32
    %dma_start3A_308 = arith.constant 9 : i32
    %dma_start3A_309 = arith.constant 0 : i32
    %dma_start3A_310 = arith.constant 0 : i32
    %dma_start3A_311 = tpu.memref_slice %arg8[%dma_start3A_308, %dma_start3A_309, %dma_start3A_310] : memref<16x50x64xf32, #tpu.memory_space<vmem>> -> memref<1x50x64xf32, #tpu.memory_space<vmem>>
    %dma_start3A_312 = tpu.memref_squeeze %dma_start3A_311 : memref<1x50x64xf32, #tpu.memory_space<vmem>> -> memref<50x64xf32, #tpu.memory_space<vmem>>
    %dma_start3A_313 = arith.constant 0 : i32
    %dma_start3A_314 = tpu.memref_slice %arg6[%dma_start3A_307, %dma_start3A_313] : memref<16x50xi32, #tpu.memory_space<vmem>> -> memref<1x50xi32, #tpu.memory_space<vmem>>
    %dma_start3A_315 = tpu.memref_squeeze %dma_start3A_314 : memref<1x50xi32, #tpu.memory_space<vmem>> -> memref<50xi32, #tpu.memory_space<vmem>>
    %dma_start3A_316 = arith.constant 0 : i32
    %dma_start3A_317 = arith.constant 0 : i32
    %dma_start3A_318 = tpu.memref_slice %arg3[%dma_start3A_316, %dma_start3A_317] : memref<1000000x64xf32, #tpu.memory_space<hbm>> -> memref<1000000x64xf32, #tpu.memory_space<hbm>>
    tpu.enqueue_indirect_dma source(%dma_start3A_318 : memref<1000000x64xf32, #tpu.memory_space<hbm>>) target(%dma_start3A_312 : memref<50x64xf32, #tpu.memory_space<vmem>>) offsets(%dma_start3A_315 : memref<50xi32, #tpu.memory_space<vmem>>) semaphore(%arg10 : memref<!tpu.dma_semaphore, #tpu.memory_space<semaphore_mem>>)
    %dma_start3A_319 = arith.constant 10 : i32
    %dma_start3A_320 = arith.constant 10 : i32
    %dma_start3A_321 = arith.constant 0 : i32
    %dma_start3A_322 = arith.constant 0 : i32
    %dma_start3A_323 = tpu.memref_slice %arg8[%dma_start3A_320, %dma_start3A_321, %dma_start3A_322] : memref<16x50x64xf32, #tpu.memory_space<vmem>> -> memref<1x50x64xf32, #tpu.memory_space<vmem>>
    %dma_start3A_324 = tpu.memref_squeeze %dma_start3A_323 : memref<1x50x64xf32, #tpu.memory_space<vmem>> -> memref<50x64xf32, #tpu.memory_space<vmem>>
    %dma_start3A_325 = arith.constant 0 : i32
    %dma_start3A_326 = tpu.memref_slice %arg6[%dma_start3A_319, %dma_start3A_325] : memref<16x50xi32, #tpu.memory_space<vmem>> -> memref<1x50xi32, #tpu.memory_space<vmem>>
    %dma_start3A_327 = tpu.memref_squeeze %dma_start3A_326 : memref<1x50xi32, #tpu.memory_space<vmem>> -> memref<50xi32, #tpu.memory_space<vmem>>
    %dma_start3A_328 = arith.constant 0 : i32
    %dma_start3A_329 = arith.constant 0 : i32
    %dma_start3A_330 = tpu.memref_slice %arg3[%dma_start3A_328, %dma_start3A_329] : memref<1000000x64xf32, #tpu.memory_space<hbm>> -> memref<1000000x64xf32, #tpu.memory_space<hbm>>
    tpu.enqueue_indirect_dma source(%dma_start3A_330 : memref<1000000x64xf32, #tpu.memory_space<hbm>>) target(%dma_start3A_324 : memref<50x64xf32, #tpu.memory_space<vmem>>) offsets(%dma_start3A_327 : memref<50xi32, #tpu.memory_space<vmem>>) semaphore(%arg10 : memref<!tpu.dma_semaphore, #tpu.memory_space<semaphore_mem>>)
    %dma_start3A_331 = arith.constant 11 : i32
    %dma_start3A_332 = arith.constant 11 : i32
    %dma_start3A_333 = arith.constant 0 : i32
    %dma_start3A_334 = arith.constant 0 : i32
    %dma_start3A_335 = tpu.memref_slice %arg8[%dma_start3A_332, %dma_start3A_333, %dma_start3A_334] : memref<16x50x64xf32, #tpu.memory_space<vmem>> -> memref<1x50x64xf32, #tpu.memory_space<vmem>>
    %dma_start3A_336 = tpu.memref_squeeze %dma_start3A_335 : memref<1x50x64xf32, #tpu.memory_space<vmem>> -> memref<50x64xf32, #tpu.memory_space<vmem>>
    %dma_start3A_337 = arith.constant 0 : i32
    %dma_start3A_338 = tpu.memref_slice %arg6[%dma_start3A_331, %dma_start3A_337] : memref<16x50xi32, #tpu.memory_space<vmem>> -> memref<1x50xi32, #tpu.memory_space<vmem>>
    %dma_start3A_339 = tpu.memref_squeeze %dma_start3A_338 : memref<1x50xi32, #tpu.memory_space<vmem>> -> memref<50xi32, #tpu.memory_space<vmem>>
    %dma_start3A_340 = arith.constant 0 : i32
    %dma_start3A_341 = arith.constant 0 : i32
    %dma_start3A_342 = tpu.memref_slice %arg3[%dma_start3A_340, %dma_start3A_341] : memref<1000000x64xf32, #tpu.memory_space<hbm>> -> memref<1000000x64xf32, #tpu.memory_space<hbm>>
    tpu.enqueue_indirect_dma source(%dma_start3A_342 : memref<1000000x64xf32, #tpu.memory_space<hbm>>) target(%dma_start3A_336 : memref<50x64xf32, #tpu.memory_space<vmem>>) offsets(%dma_start3A_339 : memref<50xi32, #tpu.memory_space<vmem>>) semaphore(%arg10 : memref<!tpu.dma_semaphore, #tpu.memory_space<semaphore_mem>>)
    %dma_start3A_343 = arith.constant 12 : i32
    %dma_start3A_344 = arith.constant 12 : i32
    %dma_start3A_345 = arith.constant 0 : i32
    %dma_start3A_346 = arith.constant 0 : i32
    %dma_start3A_347 = tpu.memref_slice %arg8[%dma_start3A_344, %dma_start3A_345, %dma_start3A_346] : memref<16x50x64xf32, #tpu.memory_space<vmem>> -> memref<1x50x64xf32, #tpu.memory_space<vmem>>
    %dma_start3A_348 = tpu.memref_squeeze %dma_start3A_347 : memref<1x50x64xf32, #tpu.memory_space<vmem>> -> memref<50x64xf32, #tpu.memory_space<vmem>>
    %dma_start3A_349 = arith.constant 0 : i32
    %dma_start3A_350 = tpu.memref_slice %arg6[%dma_start3A_343, %dma_start3A_349] : memref<16x50xi32, #tpu.memory_space<vmem>> -> memref<1x50xi32, #tpu.memory_space<vmem>>
    %dma_start3A_351 = tpu.memref_squeeze %dma_start3A_350 : memref<1x50xi32, #tpu.memory_space<vmem>> -> memref<50xi32, #tpu.memory_space<vmem>>
    %dma_start3A_352 = arith.constant 0 : i32
    %dma_start3A_353 = arith.constant 0 : i32
    %dma_start3A_354 = tpu.memref_slice %arg3[%dma_start3A_352, %dma_start3A_353] : memref<1000000x64xf32, #tpu.memory_space<hbm>> -> memref<1000000x64xf32, #tpu.memory_space<hbm>>
    tpu.enqueue_indirect_dma source(%dma_start3A_354 : memref<1000000x64xf32, #tpu.memory_space<hbm>>) target(%dma_start3A_348 : memref<50x64xf32, #tpu.memory_space<vmem>>) offsets(%dma_start3A_351 : memref<50xi32, #tpu.memory_space<vmem>>) semaphore(%arg10 : memref<!tpu.dma_semaphore, #tpu.memory_space<semaphore_mem>>)
    %dma_start3A_355 = arith.constant 13 : i32
    %dma_start3A_356 = arith.constant 13 : i32
    %dma_start3A_357 = arith.constant 0 : i32
    %dma_start3A_358 = arith.constant 0 : i32
    %dma_start3A_359 = tpu.memref_slice %arg8[%dma_start3A_356, %dma_start3A_357, %dma_start3A_358] : memref<16x50x64xf32, #tpu.memory_space<vmem>> -> memref<1x50x64xf32, #tpu.memory_space<vmem>>
    %dma_start3A_360 = tpu.memref_squeeze %dma_start3A_359 : memref<1x50x64xf32, #tpu.memory_space<vmem>> -> memref<50x64xf32, #tpu.memory_space<vmem>>
    %dma_start3A_361 = arith.constant 0 : i32
    %dma_start3A_362 = tpu.memref_slice %arg6[%dma_start3A_355, %dma_start3A_361] : memref<16x50xi32, #tpu.memory_space<vmem>> -> memref<1x50xi32, #tpu.memory_space<vmem>>
    %dma_start3A_363 = tpu.memref_squeeze %dma_start3A_362 : memref<1x50xi32, #tpu.memory_space<vmem>> -> memref<50xi32, #tpu.memory_space<vmem>>
    %dma_start3A_364 = arith.constant 0 : i32
    %dma_start3A_365 = arith.constant 0 : i32
    %dma_start3A_366 = tpu.memref_slice %arg3[%dma_start3A_364, %dma_start3A_365] : memref<1000000x64xf32, #tpu.memory_space<hbm>> -> memref<1000000x64xf32, #tpu.memory_space<hbm>>
    tpu.enqueue_indirect_dma source(%dma_start3A_366 : memref<1000000x64xf32, #tpu.memory_space<hbm>>) target(%dma_start3A_360 : memref<50x64xf32, #tpu.memory_space<vmem>>) offsets(%dma_start3A_363 : memref<50xi32, #tpu.memory_space<vmem>>) semaphore(%arg10 : memref<!tpu.dma_semaphore, #tpu.memory_space<semaphore_mem>>)
    %dma_start3A_367 = arith.constant 14 : i32
    %dma_start3A_368 = arith.constant 14 : i32
    %dma_start3A_369 = arith.constant 0 : i32
    %dma_start3A_370 = arith.constant 0 : i32
    %dma_start3A_371 = tpu.memref_slice %arg8[%dma_start3A_368, %dma_start3A_369, %dma_start3A_370] : memref<16x50x64xf32, #tpu.memory_space<vmem>> -> memref<1x50x64xf32, #tpu.memory_space<vmem>>
    %dma_start3A_372 = tpu.memref_squeeze %dma_start3A_371 : memref<1x50x64xf32, #tpu.memory_space<vmem>> -> memref<50x64xf32, #tpu.memory_space<vmem>>
    %dma_start3A_373 = arith.constant 0 : i32
    %dma_start3A_374 = tpu.memref_slice %arg6[%dma_start3A_367, %dma_start3A_373] : memref<16x50xi32, #tpu.memory_space<vmem>> -> memref<1x50xi32, #tpu.memory_space<vmem>>
    %dma_start3A_375 = tpu.memref_squeeze %dma_start3A_374 : memref<1x50xi32, #tpu.memory_space<vmem>> -> memref<50xi32, #tpu.memory_space<vmem>>
    %dma_start3A_376 = arith.constant 0 : i32
    %dma_start3A_377 = arith.constant 0 : i32
    %dma_start3A_378 = tpu.memref_slice %arg3[%dma_start3A_376, %dma_start3A_377] : memref<1000000x64xf32, #tpu.memory_space<hbm>> -> memref<1000000x64xf32, #tpu.memory_space<hbm>>
    tpu.enqueue_indirect_dma source(%dma_start3A_378 : memref<1000000x64xf32, #tpu.memory_space<hbm>>) target(%dma_start3A_372 : memref<50x64xf32, #tpu.memory_space<vmem>>) offsets(%dma_start3A_375 : memref<50xi32, #tpu.memory_space<vmem>>) semaphore(%arg10 : memref<!tpu.dma_semaphore, #tpu.memory_space<semaphore_mem>>)
    %dma_start3A_379 = arith.constant 15 : i32
    %dma_start3A_380 = arith.constant 15 : i32
    %dma_start3A_381 = arith.constant 0 : i32
    %dma_start3A_382 = arith.constant 0 : i32
    %dma_start3A_383 = tpu.memref_slice %arg8[%dma_start3A_380, %dma_start3A_381, %dma_start3A_382] : memref<16x50x64xf32, #tpu.memory_space<vmem>> -> memref<1x50x64xf32, #tpu.memory_space<vmem>>
    %dma_start3A_384 = tpu.memref_squeeze %dma_start3A_383 : memref<1x50x64xf32, #tpu.memory_space<vmem>> -> memref<50x64xf32, #tpu.memory_space<vmem>>
    %dma_start3A_385 = arith.constant 0 : i32
    %dma_start3A_386 = tpu.memref_slice %arg6[%dma_start3A_379, %dma_start3A_385] : memref<16x50xi32, #tpu.memory_space<vmem>> -> memref<1x50xi32, #tpu.memory_space<vmem>>
    %dma_start3A_387 = tpu.memref_squeeze %dma_start3A_386 : memref<1x50xi32, #tpu.memory_space<vmem>> -> memref<50xi32, #tpu.memory_space<vmem>>
    %dma_start3A_388 = arith.constant 0 : i32
    %dma_start3A_389 = arith.constant 0 : i32
    %dma_start3A_390 = tpu.memref_slice %arg3[%dma_start3A_388, %dma_start3A_389] : memref<1000000x64xf32, #tpu.memory_space<hbm>> -> memref<1000000x64xf32, #tpu.memory_space<hbm>>
    tpu.enqueue_indirect_dma source(%dma_start3A_390 : memref<1000000x64xf32, #tpu.memory_space<hbm>>) target(%dma_start3A_384 : memref<50x64xf32, #tpu.memory_space<vmem>>) offsets(%dma_start3A_387 : memref<50xi32, #tpu.memory_space<vmem>>) semaphore(%arg10 : memref<!tpu.dma_semaphore, #tpu.memory_space<semaphore_mem>>)
    %scan3A = arith.constant 0 : i32
    %scan3A_391 = arith.constant 0 : i32
    %scan3A_392 = arith.constant 16 : i32
    %scan3A_393 = arith.addi %scan3A_391, %scan3A_392 : i32
    %scan3A_394 = arith.constant 1 : i32
    scf.for %scan3A_396 = %scan3A_391 to %scan3A_393 step %scan3A_394  : i32 {
      %mul3A_397 = arith.constant 2 : i32
      %mul3A_398 = arith.muli %scan3A_396, %mul3A_397 : i32
      %dma_wait3A = arith.constant 0 : i32
      %dma_wait3A_399 = arith.constant 0 : i32
      %dma_wait3A_400 = arith.constant 0 : i32
      %dma_wait3A_401 = arith.constant 0 : i32
      %dma_wait3A_402 = tpu.memref_slice %arg7[%dma_wait3A_399, %dma_wait3A_400, %dma_wait3A_401] : memref<16x50x64xf32, #tpu.memory_space<vmem>> -> memref<1x50x64xf32, #tpu.memory_space<vmem>>
      %dma_wait3A_403 = tpu.memref_squeeze %dma_wait3A_402 : memref<1x50x64xf32, #tpu.memory_space<vmem>> -> memref<50x64xf32, #tpu.memory_space<vmem>>
      %dma_wait3A_404 = arith.constant 0 : i32
      %dma_wait3A_405 = tpu.memref_slice %arg5[%dma_wait3A, %dma_wait3A_404] : memref<16x50xi32, #tpu.memory_space<vmem>> -> memref<1x50xi32, #tpu.memory_space<vmem>>
      %dma_wait3A_406 = tpu.memref_squeeze %dma_wait3A_405 : memref<1x50xi32, #tpu.memory_space<vmem>> -> memref<50xi32, #tpu.memory_space<vmem>>
      %dma_wait3A_407 = arith.constant 0 : i32
      %dma_wait3A_408 = arith.constant 0 : i32
      %dma_wait3A_409 = tpu.memref_slice %arg3[%dma_wait3A_407, %dma_wait3A_408] : memref<1000000x64xf32, #tpu.memory_space<hbm>> -> memref<1000000x64xf32, #tpu.memory_space<hbm>>
      tpu.wait_indirect_dma semaphore(%arg9 : memref<!tpu.dma_semaphore, #tpu.memory_space<semaphore_mem>>) src(%dma_wait3A_409 : memref<1000000x64xf32, #tpu.memory_space<hbm>>) dst(%dma_wait3A_403 : memref<50x64xf32, #tpu.memory_space<vmem>>)
      %dma_wait3A_410 = arith.constant 1 : i32
      %dma_wait3A_411 = arith.constant 1 : i32
      %dma_wait3A_412 = arith.constant 0 : i32
      %dma_wait3A_413 = arith.constant 0 : i32
      %dma_wait3A_414 = tpu.memref_slice %arg7[%dma_wait3A_411, %dma_wait3A_412, %dma_wait3A_413] : memref<16x50x64xf32, #tpu.memory_space<vmem>> -> memref<1x50x64xf32, #tpu.memory_space<vmem>>
      %dma_wait3A_415 = tpu.memref_squeeze %dma_wait3A_414 : memref<1x50x64xf32, #tpu.memory_space<vmem>> -> memref<50x64xf32, #tpu.memory_space<vmem>>
      %dma_wait3A_416 = arith.constant 0 : i32
      %dma_wait3A_417 = tpu.memref_slice %arg5[%dma_wait3A_410, %dma_wait3A_416] : memref<16x50xi32, #tpu.memory_space<vmem>> -> memref<1x50xi32, #tpu.memory_space<vmem>>
      %dma_wait3A_418 = tpu.memref_squeeze %dma_wait3A_417 : memref<1x50xi32, #tpu.memory_space<vmem>> -> memref<50xi32, #tpu.memory_space<vmem>>
      %dma_wait3A_419 = arith.constant 0 : i32
      %dma_wait3A_420 = arith.constant 0 : i32
      %dma_wait3A_421 = tpu.memref_slice %arg3[%dma_wait3A_419, %dma_wait3A_420] : memref<1000000x64xf32, #tpu.memory_space<hbm>> -> memref<1000000x64xf32, #tpu.memory_space<hbm>>
      tpu.wait_indirect_dma semaphore(%arg9 : memref<!tpu.dma_semaphore, #tpu.memory_space<semaphore_mem>>) src(%dma_wait3A_421 : memref<1000000x64xf32, #tpu.memory_space<hbm>>) dst(%dma_wait3A_415 : memref<50x64xf32, #tpu.memory_space<vmem>>)
      %dma_wait3A_422 = arith.constant 2 : i32
      %dma_wait3A_423 = arith.constant 2 : i32
      %dma_wait3A_424 = arith.constant 0 : i32
      %dma_wait3A_425 = arith.constant 0 : i32
      %dma_wait3A_426 = tpu.memref_slice %arg7[%dma_wait3A_423, %dma_wait3A_424, %dma_wait3A_425] : memref<16x50x64xf32, #tpu.memory_space<vmem>> -> memref<1x50x64xf32, #tpu.memory_space<vmem>>
      %dma_wait3A_427 = tpu.memref_squeeze %dma_wait3A_426 : memref<1x50x64xf32, #tpu.memory_space<vmem>> -> memref<50x64xf32, #tpu.memory_space<vmem>>
      %dma_wait3A_428 = arith.constant 0 : i32
      %dma_wait3A_429 = tpu.memref_slice %arg5[%dma_wait3A_422, %dma_wait3A_428] : memref<16x50xi32, #tpu.memory_space<vmem>> -> memref<1x50xi32, #tpu.memory_space<vmem>>
      %dma_wait3A_430 = tpu.memref_squeeze %dma_wait3A_429 : memref<1x50xi32, #tpu.memory_space<vmem>> -> memref<50xi32, #tpu.memory_space<vmem>>
      %dma_wait3A_431 = arith.constant 0 : i32
      %dma_wait3A_432 = arith.constant 0 : i32
      %dma_wait3A_433 = tpu.memref_slice %arg3[%dma_wait3A_431, %dma_wait3A_432] : memref<1000000x64xf32, #tpu.memory_space<hbm>> -> memref<1000000x64xf32, #tpu.memory_space<hbm>>
      tpu.wait_indirect_dma semaphore(%arg9 : memref<!tpu.dma_semaphore, #tpu.memory_space<semaphore_mem>>) src(%dma_wait3A_433 : memref<1000000x64xf32, #tpu.memory_space<hbm>>) dst(%dma_wait3A_427 : memref<50x64xf32, #tpu.memory_space<vmem>>)
      %dma_wait3A_434 = arith.constant 3 : i32
      %dma_wait3A_435 = arith.constant 3 : i32
      %dma_wait3A_436 = arith.constant 0 : i32
      %dma_wait3A_437 = arith.constant 0 : i32
      %dma_wait3A_438 = tpu.memref_slice %arg7[%dma_wait3A_435, %dma_wait3A_436, %dma_wait3A_437] : memref<16x50x64xf32, #tpu.memory_space<vmem>> -> memref<1x50x64xf32, #tpu.memory_space<vmem>>
      %dma_wait3A_439 = tpu.memref_squeeze %dma_wait3A_438 : memref<1x50x64xf32, #tpu.memory_space<vmem>> -> memref<50x64xf32, #tpu.memory_space<vmem>>
      %dma_wait3A_440 = arith.constant 0 : i32
      %dma_wait3A_441 = tpu.memref_slice %arg5[%dma_wait3A_434, %dma_wait3A_440] : memref<16x50xi32, #tpu.memory_space<vmem>> -> memref<1x50xi32, #tpu.memory_space<vmem>>
      %dma_wait3A_442 = tpu.memref_squeeze %dma_wait3A_441 : memref<1x50xi32, #tpu.memory_space<vmem>> -> memref<50xi32, #tpu.memory_space<vmem>>
      %dma_wait3A_443 = arith.constant 0 : i32
      %dma_wait3A_444 = arith.constant 0 : i32
      %dma_wait3A_445 = tpu.memref_slice %arg3[%dma_wait3A_443, %dma_wait3A_444] : memref<1000000x64xf32, #tpu.memory_space<hbm>> -> memref<1000000x64xf32, #tpu.memory_space<hbm>>
      tpu.wait_indirect_dma semaphore(%arg9 : memref<!tpu.dma_semaphore, #tpu.memory_space<semaphore_mem>>) src(%dma_wait3A_445 : memref<1000000x64xf32, #tpu.memory_space<hbm>>) dst(%dma_wait3A_439 : memref<50x64xf32, #tpu.memory_space<vmem>>)
      %dma_wait3A_446 = arith.constant 4 : i32
      %dma_wait3A_447 = arith.constant 4 : i32
      %dma_wait3A_448 = arith.constant 0 : i32
      %dma_wait3A_449 = arith.constant 0 : i32
      %dma_wait3A_450 = tpu.memref_slice %arg7[%dma_wait3A_447, %dma_wait3A_448, %dma_wait3A_449] : memref<16x50x64xf32, #tpu.memory_space<vmem>> -> memref<1x50x64xf32, #tpu.memory_space<vmem>>
      %dma_wait3A_451 = tpu.memref_squeeze %dma_wait3A_450 : memref<1x50x64xf32, #tpu.memory_space<vmem>> -> memref<50x64xf32, #tpu.memory_space<vmem>>
      %dma_wait3A_452 = arith.constant 0 : i32
      %dma_wait3A_453 = tpu.memref_slice %arg5[%dma_wait3A_446, %dma_wait3A_452] : memref<16x50xi32, #tpu.memory_space<vmem>> -> memref<1x50xi32, #tpu.memory_space<vmem>>
      %dma_wait3A_454 = tpu.memref_squeeze %dma_wait3A_453 : memref<1x50xi32, #tpu.memory_space<vmem>> -> memref<50xi32, #tpu.memory_space<vmem>>
      %dma_wait3A_455 = arith.constant 0 : i32
      %dma_wait3A_456 = arith.constant 0 : i32
      %dma_wait3A_457 = tpu.memref_slice %arg3[%dma_wait3A_455, %dma_wait3A_456] : memref<1000000x64xf32, #tpu.memory_space<hbm>> -> memref<1000000x64xf32, #tpu.memory_space<hbm>>
      tpu.wait_indirect_dma semaphore(%arg9 : memref<!tpu.dma_semaphore, #tpu.memory_space<semaphore_mem>>) src(%dma_wait3A_457 : memref<1000000x64xf32, #tpu.memory_space<hbm>>) dst(%dma_wait3A_451 : memref<50x64xf32, #tpu.memory_space<vmem>>)
      %dma_wait3A_458 = arith.constant 5 : i32
      %dma_wait3A_459 = arith.constant 5 : i32
      %dma_wait3A_460 = arith.constant 0 : i32
      %dma_wait3A_461 = arith.constant 0 : i32
      %dma_wait3A_462 = tpu.memref_slice %arg7[%dma_wait3A_459, %dma_wait3A_460, %dma_wait3A_461] : memref<16x50x64xf32, #tpu.memory_space<vmem>> -> memref<1x50x64xf32, #tpu.memory_space<vmem>>
      %dma_wait3A_463 = tpu.memref_squeeze %dma_wait3A_462 : memref<1x50x64xf32, #tpu.memory_space<vmem>> -> memref<50x64xf32, #tpu.memory_space<vmem>>
      %dma_wait3A_464 = arith.constant 0 : i32
      %dma_wait3A_465 = tpu.memref_slice %arg5[%dma_wait3A_458, %dma_wait3A_464] : memref<16x50xi32, #tpu.memory_space<vmem>> -> memref<1x50xi32, #tpu.memory_space<vmem>>
      %dma_wait3A_466 = tpu.memref_squeeze %dma_wait3A_465 : memref<1x50xi32, #tpu.memory_space<vmem>> -> memref<50xi32, #tpu.memory_space<vmem>>
      %dma_wait3A_467 = arith.constant 0 : i32
      %dma_wait3A_468 = arith.constant 0 : i32
      %dma_wait3A_469 = tpu.memref_slice %arg3[%dma_wait3A_467, %dma_wait3A_468] : memref<1000000x64xf32, #tpu.memory_space<hbm>> -> memref<1000000x64xf32, #tpu.memory_space<hbm>>
      tpu.wait_indirect_dma semaphore(%arg9 : memref<!tpu.dma_semaphore, #tpu.memory_space<semaphore_mem>>) src(%dma_wait3A_469 : memref<1000000x64xf32, #tpu.memory_space<hbm>>) dst(%dma_wait3A_463 : memref<50x64xf32, #tpu.memory_space<vmem>>)
      %dma_wait3A_470 = arith.constant 6 : i32
      %dma_wait3A_471 = arith.constant 6 : i32
      %dma_wait3A_472 = arith.constant 0 : i32
      %dma_wait3A_473 = arith.constant 0 : i32
      %dma_wait3A_474 = tpu.memref_slice %arg7[%dma_wait3A_471, %dma_wait3A_472, %dma_wait3A_473] : memref<16x50x64xf32, #tpu.memory_space<vmem>> -> memref<1x50x64xf32, #tpu.memory_space<vmem>>
      %dma_wait3A_475 = tpu.memref_squeeze %dma_wait3A_474 : memref<1x50x64xf32, #tpu.memory_space<vmem>> -> memref<50x64xf32, #tpu.memory_space<vmem>>
      %dma_wait3A_476 = arith.constant 0 : i32
      %dma_wait3A_477 = tpu.memref_slice %arg5[%dma_wait3A_470, %dma_wait3A_476] : memref<16x50xi32, #tpu.memory_space<vmem>> -> memref<1x50xi32, #tpu.memory_space<vmem>>
      %dma_wait3A_478 = tpu.memref_squeeze %dma_wait3A_477 : memref<1x50xi32, #tpu.memory_space<vmem>> -> memref<50xi32, #tpu.memory_space<vmem>>
      %dma_wait3A_479 = arith.constant 0 : i32
      %dma_wait3A_480 = arith.constant 0 : i32
      %dma_wait3A_481 = tpu.memref_slice %arg3[%dma_wait3A_479, %dma_wait3A_480] : memref<1000000x64xf32, #tpu.memory_space<hbm>> -> memref<1000000x64xf32, #tpu.memory_space<hbm>>
      tpu.wait_indirect_dma semaphore(%arg9 : memref<!tpu.dma_semaphore, #tpu.memory_space<semaphore_mem>>) src(%dma_wait3A_481 : memref<1000000x64xf32, #tpu.memory_space<hbm>>) dst(%dma_wait3A_475 : memref<50x64xf32, #tpu.memory_space<vmem>>)
      %dma_wait3A_482 = arith.constant 7 : i32
      %dma_wait3A_483 = arith.constant 7 : i32
      %dma_wait3A_484 = arith.constant 0 : i32
      %dma_wait3A_485 = arith.constant 0 : i32
      %dma_wait3A_486 = tpu.memref_slice %arg7[%dma_wait3A_483, %dma_wait3A_484, %dma_wait3A_485] : memref<16x50x64xf32, #tpu.memory_space<vmem>> -> memref<1x50x64xf32, #tpu.memory_space<vmem>>
      %dma_wait3A_487 = tpu.memref_squeeze %dma_wait3A_486 : memref<1x50x64xf32, #tpu.memory_space<vmem>> -> memref<50x64xf32, #tpu.memory_space<vmem>>
      %dma_wait3A_488 = arith.constant 0 : i32
      %dma_wait3A_489 = tpu.memref_slice %arg5[%dma_wait3A_482, %dma_wait3A_488] : memref<16x50xi32, #tpu.memory_space<vmem>> -> memref<1x50xi32, #tpu.memory_space<vmem>>
      %dma_wait3A_490 = tpu.memref_squeeze %dma_wait3A_489 : memref<1x50xi32, #tpu.memory_space<vmem>> -> memref<50xi32, #tpu.memory_space<vmem>>
      %dma_wait3A_491 = arith.constant 0 : i32
      %dma_wait3A_492 = arith.constant 0 : i32
      %dma_wait3A_493 = tpu.memref_slice %arg3[%dma_wait3A_491, %dma_wait3A_492] : memref<1000000x64xf32, #tpu.memory_space<hbm>> -> memref<1000000x64xf32, #tpu.memory_space<hbm>>
      tpu.wait_indirect_dma semaphore(%arg9 : memref<!tpu.dma_semaphore, #tpu.memory_space<semaphore_mem>>) src(%dma_wait3A_493 : memref<1000000x64xf32, #tpu.memory_space<hbm>>) dst(%dma_wait3A_487 : memref<50x64xf32, #tpu.memory_space<vmem>>)
      %dma_wait3A_494 = arith.constant 8 : i32
      %dma_wait3A_495 = arith.constant 8 : i32
      %dma_wait3A_496 = arith.constant 0 : i32
      %dma_wait3A_497 = arith.constant 0 : i32
      %dma_wait3A_498 = tpu.memref_slice %arg7[%dma_wait3A_495, %dma_wait3A_496, %dma_wait3A_497] : memref<16x50x64xf32, #tpu.memory_space<vmem>> -> memref<1x50x64xf32, #tpu.memory_space<vmem>>
      %dma_wait3A_499 = tpu.memref_squeeze %dma_wait3A_498 : memref<1x50x64xf32, #tpu.memory_space<vmem>> -> memref<50x64xf32, #tpu.memory_space<vmem>>
      %dma_wait3A_500 = arith.constant 0 : i32
      %dma_wait3A_501 = tpu.memref_slice %arg5[%dma_wait3A_494, %dma_wait3A_500] : memref<16x50xi32, #tpu.memory_space<vmem>> -> memref<1x50xi32, #tpu.memory_space<vmem>>
      %dma_wait3A_502 = tpu.memref_squeeze %dma_wait3A_501 : memref<1x50xi32, #tpu.memory_space<vmem>> -> memref<50xi32, #tpu.memory_space<vmem>>
      %dma_wait3A_503 = arith.constant 0 : i32
      %dma_wait3A_504 = arith.constant 0 : i32
      %dma_wait3A_505 = tpu.memref_slice %arg3[%dma_wait3A_503, %dma_wait3A_504] : memref<1000000x64xf32, #tpu.memory_space<hbm>> -> memref<1000000x64xf32, #tpu.memory_space<hbm>>
      tpu.wait_indirect_dma semaphore(%arg9 : memref<!tpu.dma_semaphore, #tpu.memory_space<semaphore_mem>>) src(%dma_wait3A_505 : memref<1000000x64xf32, #tpu.memory_space<hbm>>) dst(%dma_wait3A_499 : memref<50x64xf32, #tpu.memory_space<vmem>>)
      %dma_wait3A_506 = arith.constant 9 : i32
      %dma_wait3A_507 = arith.constant 9 : i32
      %dma_wait3A_508 = arith.constant 0 : i32
      %dma_wait3A_509 = arith.constant 0 : i32
      %dma_wait3A_510 = tpu.memref_slice %arg7[%dma_wait3A_507, %dma_wait3A_508, %dma_wait3A_509] : memref<16x50x64xf32, #tpu.memory_space<vmem>> -> memref<1x50x64xf32, #tpu.memory_space<vmem>>
      %dma_wait3A_511 = tpu.memref_squeeze %dma_wait3A_510 : memref<1x50x64xf32, #tpu.memory_space<vmem>> -> memref<50x64xf32, #tpu.memory_space<vmem>>
      %dma_wait3A_512 = arith.constant 0 : i32
      %dma_wait3A_513 = tpu.memref_slice %arg5[%dma_wait3A_506, %dma_wait3A_512] : memref<16x50xi32, #tpu.memory_space<vmem>> -> memref<1x50xi32, #tpu.memory_space<vmem>>
      %dma_wait3A_514 = tpu.memref_squeeze %dma_wait3A_513 : memref<1x50xi32, #tpu.memory_space<vmem>> -> memref<50xi32, #tpu.memory_space<vmem>>
      %dma_wait3A_515 = arith.constant 0 : i32
      %dma_wait3A_516 = arith.constant 0 : i32
      %dma_wait3A_517 = tpu.memref_slice %arg3[%dma_wait3A_515, %dma_wait3A_516] : memref<1000000x64xf32, #tpu.memory_space<hbm>> -> memref<1000000x64xf32, #tpu.memory_space<hbm>>
      tpu.wait_indirect_dma semaphore(%arg9 : memref<!tpu.dma_semaphore, #tpu.memory_space<semaphore_mem>>) src(%dma_wait3A_517 : memref<1000000x64xf32, #tpu.memory_space<hbm>>) dst(%dma_wait3A_511 : memref<50x64xf32, #tpu.memory_space<vmem>>)
      %dma_wait3A_518 = arith.constant 10 : i32
      %dma_wait3A_519 = arith.constant 10 : i32
      %dma_wait3A_520 = arith.constant 0 : i32
      %dma_wait3A_521 = arith.constant 0 : i32
      %dma_wait3A_522 = tpu.memref_slice %arg7[%dma_wait3A_519, %dma_wait3A_520, %dma_wait3A_521] : memref<16x50x64xf32, #tpu.memory_space<vmem>> -> memref<1x50x64xf32, #tpu.memory_space<vmem>>
      %dma_wait3A_523 = tpu.memref_squeeze %dma_wait3A_522 : memref<1x50x64xf32, #tpu.memory_space<vmem>> -> memref<50x64xf32, #tpu.memory_space<vmem>>
      %dma_wait3A_524 = arith.constant 0 : i32
      %dma_wait3A_525 = tpu.memref_slice %arg5[%dma_wait3A_518, %dma_wait3A_524] : memref<16x50xi32, #tpu.memory_space<vmem>> -> memref<1x50xi32, #tpu.memory_space<vmem>>
      %dma_wait3A_526 = tpu.memref_squeeze %dma_wait3A_525 : memref<1x50xi32, #tpu.memory_space<vmem>> -> memref<50xi32, #tpu.memory_space<vmem>>
      %dma_wait3A_527 = arith.constant 0 : i32
      %dma_wait3A_528 = arith.constant 0 : i32
      %dma_wait3A_529 = tpu.memref_slice %arg3[%dma_wait3A_527, %dma_wait3A_528] : memref<1000000x64xf32, #tpu.memory_space<hbm>> -> memref<1000000x64xf32, #tpu.memory_space<hbm>>
      tpu.wait_indirect_dma semaphore(%arg9 : memref<!tpu.dma_semaphore, #tpu.memory_space<semaphore_mem>>) src(%dma_wait3A_529 : memref<1000000x64xf32, #tpu.memory_space<hbm>>) dst(%dma_wait3A_523 : memref<50x64xf32, #tpu.memory_space<vmem>>)
      %dma_wait3A_530 = arith.constant 11 : i32
      %dma_wait3A_531 = arith.constant 11 : i32
      %dma_wait3A_532 = arith.constant 0 : i32
      %dma_wait3A_533 = arith.constant 0 : i32
      %dma_wait3A_534 = tpu.memref_slice %arg7[%dma_wait3A_531, %dma_wait3A_532, %dma_wait3A_533] : memref<16x50x64xf32, #tpu.memory_space<vmem>> -> memref<1x50x64xf32, #tpu.memory_space<vmem>>
      %dma_wait3A_535 = tpu.memref_squeeze %dma_wait3A_534 : memref<1x50x64xf32, #tpu.memory_space<vmem>> -> memref<50x64xf32, #tpu.memory_space<vmem>>
      %dma_wait3A_536 = arith.constant 0 : i32
      %dma_wait3A_537 = tpu.memref_slice %arg5[%dma_wait3A_530, %dma_wait3A_536] : memref<16x50xi32, #tpu.memory_space<vmem>> -> memref<1x50xi32, #tpu.memory_space<vmem>>
      %dma_wait3A_538 = tpu.memref_squeeze %dma_wait3A_537 : memref<1x50xi32, #tpu.memory_space<vmem>> -> memref<50xi32, #tpu.memory_space<vmem>>
      %dma_wait3A_539 = arith.constant 0 : i32
      %dma_wait3A_540 = arith.constant 0 : i32
      %dma_wait3A_541 = tpu.memref_slice %arg3[%dma_wait3A_539, %dma_wait3A_540] : memref<1000000x64xf32, #tpu.memory_space<hbm>> -> memref<1000000x64xf32, #tpu.memory_space<hbm>>
      tpu.wait_indirect_dma semaphore(%arg9 : memref<!tpu.dma_semaphore, #tpu.memory_space<semaphore_mem>>) src(%dma_wait3A_541 : memref<1000000x64xf32, #tpu.memory_space<hbm>>) dst(%dma_wait3A_535 : memref<50x64xf32, #tpu.memory_space<vmem>>)
      %dma_wait3A_542 = arith.constant 12 : i32
      %dma_wait3A_543 = arith.constant 12 : i32
      %dma_wait3A_544 = arith.constant 0 : i32
      %dma_wait3A_545 = arith.constant 0 : i32
      %dma_wait3A_546 = tpu.memref_slice %arg7[%dma_wait3A_543, %dma_wait3A_544, %dma_wait3A_545] : memref<16x50x64xf32, #tpu.memory_space<vmem>> -> memref<1x50x64xf32, #tpu.memory_space<vmem>>
      %dma_wait3A_547 = tpu.memref_squeeze %dma_wait3A_546 : memref<1x50x64xf32, #tpu.memory_space<vmem>> -> memref<50x64xf32, #tpu.memory_space<vmem>>
      %dma_wait3A_548 = arith.constant 0 : i32
      %dma_wait3A_549 = tpu.memref_slice %arg5[%dma_wait3A_542, %dma_wait3A_548] : memref<16x50xi32, #tpu.memory_space<vmem>> -> memref<1x50xi32, #tpu.memory_space<vmem>>
      %dma_wait3A_550 = tpu.memref_squeeze %dma_wait3A_549 : memref<1x50xi32, #tpu.memory_space<vmem>> -> memref<50xi32, #tpu.memory_space<vmem>>
      %dma_wait3A_551 = arith.constant 0 : i32
      %dma_wait3A_552 = arith.constant 0 : i32
      %dma_wait3A_553 = tpu.memref_slice %arg3[%dma_wait3A_551, %dma_wait3A_552] : memref<1000000x64xf32, #tpu.memory_space<hbm>> -> memref<1000000x64xf32, #tpu.memory_space<hbm>>
      tpu.wait_indirect_dma semaphore(%arg9 : memref<!tpu.dma_semaphore, #tpu.memory_space<semaphore_mem>>) src(%dma_wait3A_553 : memref<1000000x64xf32, #tpu.memory_space<hbm>>) dst(%dma_wait3A_547 : memref<50x64xf32, #tpu.memory_space<vmem>>)
      %dma_wait3A_554 = arith.constant 13 : i32
      %dma_wait3A_555 = arith.constant 13 : i32
      %dma_wait3A_556 = arith.constant 0 : i32
      %dma_wait3A_557 = arith.constant 0 : i32
      %dma_wait3A_558 = tpu.memref_slice %arg7[%dma_wait3A_555, %dma_wait3A_556, %dma_wait3A_557] : memref<16x50x64xf32, #tpu.memory_space<vmem>> -> memref<1x50x64xf32, #tpu.memory_space<vmem>>
      %dma_wait3A_559 = tpu.memref_squeeze %dma_wait3A_558 : memref<1x50x64xf32, #tpu.memory_space<vmem>> -> memref<50x64xf32, #tpu.memory_space<vmem>>
      %dma_wait3A_560 = arith.constant 0 : i32
      %dma_wait3A_561 = tpu.memref_slice %arg5[%dma_wait3A_554, %dma_wait3A_560] : memref<16x50xi32, #tpu.memory_space<vmem>> -> memref<1x50xi32, #tpu.memory_space<vmem>>
      %dma_wait3A_562 = tpu.memref_squeeze %dma_wait3A_561 : memref<1x50xi32, #tpu.memory_space<vmem>> -> memref<50xi32, #tpu.memory_space<vmem>>
      %dma_wait3A_563 = arith.constant 0 : i32
      %dma_wait3A_564 = arith.constant 0 : i32
      %dma_wait3A_565 = tpu.memref_slice %arg3[%dma_wait3A_563, %dma_wait3A_564] : memref<1000000x64xf32, #tpu.memory_space<hbm>> -> memref<1000000x64xf32, #tpu.memory_space<hbm>>
      tpu.wait_indirect_dma semaphore(%arg9 : memref<!tpu.dma_semaphore, #tpu.memory_space<semaphore_mem>>) src(%dma_wait3A_565 : memref<1000000x64xf32, #tpu.memory_space<hbm>>) dst(%dma_wait3A_559 : memref<50x64xf32, #tpu.memory_space<vmem>>)
      %dma_wait3A_566 = arith.constant 14 : i32
      %dma_wait3A_567 = arith.constant 14 : i32
      %dma_wait3A_568 = arith.constant 0 : i32
      %dma_wait3A_569 = arith.constant 0 : i32
      %dma_wait3A_570 = tpu.memref_slice %arg7[%dma_wait3A_567, %dma_wait3A_568, %dma_wait3A_569] : memref<16x50x64xf32, #tpu.memory_space<vmem>> -> memref<1x50x64xf32, #tpu.memory_space<vmem>>
      %dma_wait3A_571 = tpu.memref_squeeze %dma_wait3A_570 : memref<1x50x64xf32, #tpu.memory_space<vmem>> -> memref<50x64xf32, #tpu.memory_space<vmem>>
      %dma_wait3A_572 = arith.constant 0 : i32
      %dma_wait3A_573 = tpu.memref_slice %arg5[%dma_wait3A_566, %dma_wait3A_572] : memref<16x50xi32, #tpu.memory_space<vmem>> -> memref<1x50xi32, #tpu.memory_space<vmem>>
      %dma_wait3A_574 = tpu.memref_squeeze %dma_wait3A_573 : memref<1x50xi32, #tpu.memory_space<vmem>> -> memref<50xi32, #tpu.memory_space<vmem>>
      %dma_wait3A_575 = arith.constant 0 : i32
      %dma_wait3A_576 = arith.constant 0 : i32
      %dma_wait3A_577 = tpu.memref_slice %arg3[%dma_wait3A_575, %dma_wait3A_576] : memref<1000000x64xf32, #tpu.memory_space<hbm>> -> memref<1000000x64xf32, #tpu.memory_space<hbm>>
      tpu.wait_indirect_dma semaphore(%arg9 : memref<!tpu.dma_semaphore, #tpu.memory_space<semaphore_mem>>) src(%dma_wait3A_577 : memref<1000000x64xf32, #tpu.memory_space<hbm>>) dst(%dma_wait3A_571 : memref<50x64xf32, #tpu.memory_space<vmem>>)
      %dma_wait3A_578 = arith.constant 15 : i32
      %dma_wait3A_579 = arith.constant 15 : i32
      %dma_wait3A_580 = arith.constant 0 : i32
      %dma_wait3A_581 = arith.constant 0 : i32
      %dma_wait3A_582 = tpu.memref_slice %arg7[%dma_wait3A_579, %dma_wait3A_580, %dma_wait3A_581] : memref<16x50x64xf32, #tpu.memory_space<vmem>> -> memref<1x50x64xf32, #tpu.memory_space<vmem>>
      %dma_wait3A_583 = tpu.memref_squeeze %dma_wait3A_582 : memref<1x50x64xf32, #tpu.memory_space<vmem>> -> memref<50x64xf32, #tpu.memory_space<vmem>>
      %dma_wait3A_584 = arith.constant 0 : i32
      %dma_wait3A_585 = tpu.memref_slice %arg5[%dma_wait3A_578, %dma_wait3A_584] : memref<16x50xi32, #tpu.memory_space<vmem>> -> memref<1x50xi32, #tpu.memory_space<vmem>>
      %dma_wait3A_586 = tpu.memref_squeeze %dma_wait3A_585 : memref<1x50xi32, #tpu.memory_space<vmem>> -> memref<50xi32, #tpu.memory_space<vmem>>
      %dma_wait3A_587 = arith.constant 0 : i32
      %dma_wait3A_588 = arith.constant 0 : i32
      %dma_wait3A_589 = tpu.memref_slice %arg3[%dma_wait3A_587, %dma_wait3A_588] : memref<1000000x64xf32, #tpu.memory_space<hbm>> -> memref<1000000x64xf32, #tpu.memory_space<hbm>>
      tpu.wait_indirect_dma semaphore(%arg9 : memref<!tpu.dma_semaphore, #tpu.memory_space<semaphore_mem>>) src(%dma_wait3A_589 : memref<1000000x64xf32, #tpu.memory_space<hbm>>) dst(%dma_wait3A_583 : memref<50x64xf32, #tpu.memory_space<vmem>>)
      %add3A_590 = arith.constant 0 : i32
      %add3A_591 = arith.addi %mul3A_398, %add3A_590 : i32
      %mul3A_592 = arith.constant 16 : i32
      %mul3A_593 = arith.muli %add3A_591, %mul3A_592 : i32
      %add3A_594 = arith.addi %mul3A_2, %mul3A_593 : i32
      %multiple_of3A_595 = tpu.assume_multiple %add3A_594, 16 : i32
      %dma_start3A_596 = arith.constant 0 : i32
      %dma_start3A_597 = arith.constant 0 : i32
      %dma_start3A_598 = tpu.memref_slice %arg4[%multiple_of3A_595, %dma_start3A_596, %dma_start3A_597] : memref<16384x50x64xf32, #tpu.memory_space<hbm>> -> memref<16x50x64xf32, #tpu.memory_space<hbm>>
      %dma_start3A_599 = arith.constant 0 : i32
      %dma_start3A_600 = arith.constant 0 : i32
      %dma_start3A_601 = tpu.memref_slice %arg4[%multiple_of3A_595, %dma_start3A_599, %dma_start3A_600] : memref<16384x50x64xf32, #tpu.memory_space<hbm>> -> memref<16x50x64xf32, #tpu.memory_space<hbm>>
      tpu.enqueue_dma source(%arg7 : memref<16x50x64xf32, #tpu.memory_space<vmem>>) target(%dma_start3A_601 : memref<16x50x64xf32, #tpu.memory_space<hbm>>) target_semaphore(%arg11 : memref<!tpu.dma_semaphore, #tpu.memory_space<semaphore_mem>>)
      %dma_wait3A_602 = arith.constant 0 : i32
      %dma_wait3A_603 = arith.constant 0 : i32
      %dma_wait3A_604 = arith.constant 0 : i32
      %dma_wait3A_605 = arith.constant 0 : i32
      %dma_wait3A_606 = tpu.memref_slice %arg8[%dma_wait3A_603, %dma_wait3A_604, %dma_wait3A_605] : memref<16x50x64xf32, #tpu.memory_space<vmem>> -> memref<1x50x64xf32, #tpu.memory_space<vmem>>
      %dma_wait3A_607 = tpu.memref_squeeze %dma_wait3A_606 : memref<1x50x64xf32, #tpu.memory_space<vmem>> -> memref<50x64xf32, #tpu.memory_space<vmem>>
      %dma_wait3A_608 = arith.constant 0 : i32
      %dma_wait3A_609 = tpu.memref_slice %arg6[%dma_wait3A_602, %dma_wait3A_608] : memref<16x50xi32, #tpu.memory_space<vmem>> -> memref<1x50xi32, #tpu.memory_space<vmem>>
      %dma_wait3A_610 = tpu.memref_squeeze %dma_wait3A_609 : memref<1x50xi32, #tpu.memory_space<vmem>> -> memref<50xi32, #tpu.memory_space<vmem>>
      %dma_wait3A_611 = arith.constant 0 : i32
      %dma_wait3A_612 = arith.constant 0 : i32
      %dma_wait3A_613 = tpu.memref_slice %arg3[%dma_wait3A_611, %dma_wait3A_612] : memref<1000000x64xf32, #tpu.memory_space<hbm>> -> memref<1000000x64xf32, #tpu.memory_space<hbm>>
      tpu.wait_indirect_dma semaphore(%arg10 : memref<!tpu.dma_semaphore, #tpu.memory_space<semaphore_mem>>) src(%dma_wait3A_613 : memref<1000000x64xf32, #tpu.memory_space<hbm>>) dst(%dma_wait3A_607 : memref<50x64xf32, #tpu.memory_space<vmem>>)
      %dma_wait3A_614 = arith.constant 1 : i32
      %dma_wait3A_615 = arith.constant 1 : i32
      %dma_wait3A_616 = arith.constant 0 : i32
      %dma_wait3A_617 = arith.constant 0 : i32
      %dma_wait3A_618 = tpu.memref_slice %arg8[%dma_wait3A_615, %dma_wait3A_616, %dma_wait3A_617] : memref<16x50x64xf32, #tpu.memory_space<vmem>> -> memref<1x50x64xf32, #tpu.memory_space<vmem>>
      %dma_wait3A_619 = tpu.memref_squeeze %dma_wait3A_618 : memref<1x50x64xf32, #tpu.memory_space<vmem>> -> memref<50x64xf32, #tpu.memory_space<vmem>>
      %dma_wait3A_620 = arith.constant 0 : i32
      %dma_wait3A_621 = tpu.memref_slice %arg6[%dma_wait3A_614, %dma_wait3A_620] : memref<16x50xi32, #tpu.memory_space<vmem>> -> memref<1x50xi32, #tpu.memory_space<vmem>>
      %dma_wait3A_622 = tpu.memref_squeeze %dma_wait3A_621 : memref<1x50xi32, #tpu.memory_space<vmem>> -> memref<50xi32, #tpu.memory_space<vmem>>
      %dma_wait3A_623 = arith.constant 0 : i32
      %dma_wait3A_624 = arith.constant 0 : i32
      %dma_wait3A_625 = tpu.memref_slice %arg3[%dma_wait3A_623, %dma_wait3A_624] : memref<1000000x64xf32, #tpu.memory_space<hbm>> -> memref<1000000x64xf32, #tpu.memory_space<hbm>>
      tpu.wait_indirect_dma semaphore(%arg10 : memref<!tpu.dma_semaphore, #tpu.memory_space<semaphore_mem>>) src(%dma_wait3A_625 : memref<1000000x64xf32, #tpu.memory_space<hbm>>) dst(%dma_wait3A_619 : memref<50x64xf32, #tpu.memory_space<vmem>>)
      %dma_wait3A_626 = arith.constant 2 : i32
      %dma_wait3A_627 = arith.constant 2 : i32
      %dma_wait3A_628 = arith.constant 0 : i32
      %dma_wait3A_629 = arith.constant 0 : i32
      %dma_wait3A_630 = tpu.memref_slice %arg8[%dma_wait3A_627, %dma_wait3A_628, %dma_wait3A_629] : memref<16x50x64xf32, #tpu.memory_space<vmem>> -> memref<1x50x64xf32, #tpu.memory_space<vmem>>
      %dma_wait3A_631 = tpu.memref_squeeze %dma_wait3A_630 : memref<1x50x64xf32, #tpu.memory_space<vmem>> -> memref<50x64xf32, #tpu.memory_space<vmem>>
      %dma_wait3A_632 = arith.constant 0 : i32
      %dma_wait3A_633 = tpu.memref_slice %arg6[%dma_wait3A_626, %dma_wait3A_632] : memref<16x50xi32, #tpu.memory_space<vmem>> -> memref<1x50xi32, #tpu.memory_space<vmem>>
      %dma_wait3A_634 = tpu.memref_squeeze %dma_wait3A_633 : memref<1x50xi32, #tpu.memory_space<vmem>> -> memref<50xi32, #tpu.memory_space<vmem>>
      %dma_wait3A_635 = arith.constant 0 : i32
      %dma_wait3A_636 = arith.constant 0 : i32
      %dma_wait3A_637 = tpu.memref_slice %arg3[%dma_wait3A_635, %dma_wait3A_636] : memref<1000000x64xf32, #tpu.memory_space<hbm>> -> memref<1000000x64xf32, #tpu.memory_space<hbm>>
      tpu.wait_indirect_dma semaphore(%arg10 : memref<!tpu.dma_semaphore, #tpu.memory_space<semaphore_mem>>) src(%dma_wait3A_637 : memref<1000000x64xf32, #tpu.memory_space<hbm>>) dst(%dma_wait3A_631 : memref<50x64xf32, #tpu.memory_space<vmem>>)
      %dma_wait3A_638 = arith.constant 3 : i32
      %dma_wait3A_639 = arith.constant 3 : i32
      %dma_wait3A_640 = arith.constant 0 : i32
      %dma_wait3A_641 = arith.constant 0 : i32
      %dma_wait3A_642 = tpu.memref_slice %arg8[%dma_wait3A_639, %dma_wait3A_640, %dma_wait3A_641] : memref<16x50x64xf32, #tpu.memory_space<vmem>> -> memref<1x50x64xf32, #tpu.memory_space<vmem>>
      %dma_wait3A_643 = tpu.memref_squeeze %dma_wait3A_642 : memref<1x50x64xf32, #tpu.memory_space<vmem>> -> memref<50x64xf32, #tpu.memory_space<vmem>>
      %dma_wait3A_644 = arith.constant 0 : i32
      %dma_wait3A_645 = tpu.memref_slice %arg6[%dma_wait3A_638, %dma_wait3A_644] : memref<16x50xi32, #tpu.memory_space<vmem>> -> memref<1x50xi32, #tpu.memory_space<vmem>>
      %dma_wait3A_646 = tpu.memref_squeeze %dma_wait3A_645 : memref<1x50xi32, #tpu.memory_space<vmem>> -> memref<50xi32, #tpu.memory_space<vmem>>
      %dma_wait3A_647 = arith.constant 0 : i32
      %dma_wait3A_648 = arith.constant 0 : i32
      %dma_wait3A_649 = tpu.memref_slice %arg3[%dma_wait3A_647, %dma_wait3A_648] : memref<1000000x64xf32, #tpu.memory_space<hbm>> -> memref<1000000x64xf32, #tpu.memory_space<hbm>>
      tpu.wait_indirect_dma semaphore(%arg10 : memref<!tpu.dma_semaphore, #tpu.memory_space<semaphore_mem>>) src(%dma_wait3A_649 : memref<1000000x64xf32, #tpu.memory_space<hbm>>) dst(%dma_wait3A_643 : memref<50x64xf32, #tpu.memory_space<vmem>>)
      %dma_wait3A_650 = arith.constant 4 : i32
      %dma_wait3A_651 = arith.constant 4 : i32
      %dma_wait3A_652 = arith.constant 0 : i32
      %dma_wait3A_653 = arith.constant 0 : i32
      %dma_wait3A_654 = tpu.memref_slice %arg8[%dma_wait3A_651, %dma_wait3A_652, %dma_wait3A_653] : memref<16x50x64xf32, #tpu.memory_space<vmem>> -> memref<1x50x64xf32, #tpu.memory_space<vmem>>
      %dma_wait3A_655 = tpu.memref_squeeze %dma_wait3A_654 : memref<1x50x64xf32, #tpu.memory_space<vmem>> -> memref<50x64xf32, #tpu.memory_space<vmem>>
      %dma_wait3A_656 = arith.constant 0 : i32
      %dma_wait3A_657 = tpu.memref_slice %arg6[%dma_wait3A_650, %dma_wait3A_656] : memref<16x50xi32, #tpu.memory_space<vmem>> -> memref<1x50xi32, #tpu.memory_space<vmem>>
      %dma_wait3A_658 = tpu.memref_squeeze %dma_wait3A_657 : memref<1x50xi32, #tpu.memory_space<vmem>> -> memref<50xi32, #tpu.memory_space<vmem>>
      %dma_wait3A_659 = arith.constant 0 : i32
      %dma_wait3A_660 = arith.constant 0 : i32
      %dma_wait3A_661 = tpu.memref_slice %arg3[%dma_wait3A_659, %dma_wait3A_660] : memref<1000000x64xf32, #tpu.memory_space<hbm>> -> memref<1000000x64xf32, #tpu.memory_space<hbm>>
      tpu.wait_indirect_dma semaphore(%arg10 : memref<!tpu.dma_semaphore, #tpu.memory_space<semaphore_mem>>) src(%dma_wait3A_661 : memref<1000000x64xf32, #tpu.memory_space<hbm>>) dst(%dma_wait3A_655 : memref<50x64xf32, #tpu.memory_space<vmem>>)
      %dma_wait3A_662 = arith.constant 5 : i32
      %dma_wait3A_663 = arith.constant 5 : i32
      %dma_wait3A_664 = arith.constant 0 : i32
      %dma_wait3A_665 = arith.constant 0 : i32
      %dma_wait3A_666 = tpu.memref_slice %arg8[%dma_wait3A_663, %dma_wait3A_664, %dma_wait3A_665] : memref<16x50x64xf32, #tpu.memory_space<vmem>> -> memref<1x50x64xf32, #tpu.memory_space<vmem>>
      %dma_wait3A_667 = tpu.memref_squeeze %dma_wait3A_666 : memref<1x50x64xf32, #tpu.memory_space<vmem>> -> memref<50x64xf32, #tpu.memory_space<vmem>>
      %dma_wait3A_668 = arith.constant 0 : i32
      %dma_wait3A_669 = tpu.memref_slice %arg6[%dma_wait3A_662, %dma_wait3A_668] : memref<16x50xi32, #tpu.memory_space<vmem>> -> memref<1x50xi32, #tpu.memory_space<vmem>>
      %dma_wait3A_670 = tpu.memref_squeeze %dma_wait3A_669 : memref<1x50xi32, #tpu.memory_space<vmem>> -> memref<50xi32, #tpu.memory_space<vmem>>
      %dma_wait3A_671 = arith.constant 0 : i32
      %dma_wait3A_672 = arith.constant 0 : i32
      %dma_wait3A_673 = tpu.memref_slice %arg3[%dma_wait3A_671, %dma_wait3A_672] : memref<1000000x64xf32, #tpu.memory_space<hbm>> -> memref<1000000x64xf32, #tpu.memory_space<hbm>>
      tpu.wait_indirect_dma semaphore(%arg10 : memref<!tpu.dma_semaphore, #tpu.memory_space<semaphore_mem>>) src(%dma_wait3A_673 : memref<1000000x64xf32, #tpu.memory_space<hbm>>) dst(%dma_wait3A_667 : memref<50x64xf32, #tpu.memory_space<vmem>>)
      %dma_wait3A_674 = arith.constant 6 : i32
      %dma_wait3A_675 = arith.constant 6 : i32
      %dma_wait3A_676 = arith.constant 0 : i32
      %dma_wait3A_677 = arith.constant 0 : i32
      %dma_wait3A_678 = tpu.memref_slice %arg8[%dma_wait3A_675, %dma_wait3A_676, %dma_wait3A_677] : memref<16x50x64xf32, #tpu.memory_space<vmem>> -> memref<1x50x64xf32, #tpu.memory_space<vmem>>
      %dma_wait3A_679 = tpu.memref_squeeze %dma_wait3A_678 : memref<1x50x64xf32, #tpu.memory_space<vmem>> -> memref<50x64xf32, #tpu.memory_space<vmem>>
      %dma_wait3A_680 = arith.constant 0 : i32
      %dma_wait3A_681 = tpu.memref_slice %arg6[%dma_wait3A_674, %dma_wait3A_680] : memref<16x50xi32, #tpu.memory_space<vmem>> -> memref<1x50xi32, #tpu.memory_space<vmem>>
      %dma_wait3A_682 = tpu.memref_squeeze %dma_wait3A_681 : memref<1x50xi32, #tpu.memory_space<vmem>> -> memref<50xi32, #tpu.memory_space<vmem>>
      %dma_wait3A_683 = arith.constant 0 : i32
      %dma_wait3A_684 = arith.constant 0 : i32
      %dma_wait3A_685 = tpu.memref_slice %arg3[%dma_wait3A_683, %dma_wait3A_684] : memref<1000000x64xf32, #tpu.memory_space<hbm>> -> memref<1000000x64xf32, #tpu.memory_space<hbm>>
      tpu.wait_indirect_dma semaphore(%arg10 : memref<!tpu.dma_semaphore, #tpu.memory_space<semaphore_mem>>) src(%dma_wait3A_685 : memref<1000000x64xf32, #tpu.memory_space<hbm>>) dst(%dma_wait3A_679 : memref<50x64xf32, #tpu.memory_space<vmem>>)
      %dma_wait3A_686 = arith.constant 7 : i32
      %dma_wait3A_687 = arith.constant 7 : i32
      %dma_wait3A_688 = arith.constant 0 : i32
      %dma_wait3A_689 = arith.constant 0 : i32
      %dma_wait3A_690 = tpu.memref_slice %arg8[%dma_wait3A_687, %dma_wait3A_688, %dma_wait3A_689] : memref<16x50x64xf32, #tpu.memory_space<vmem>> -> memref<1x50x64xf32, #tpu.memory_space<vmem>>
      %dma_wait3A_691 = tpu.memref_squeeze %dma_wait3A_690 : memref<1x50x64xf32, #tpu.memory_space<vmem>> -> memref<50x64xf32, #tpu.memory_space<vmem>>
      %dma_wait3A_692 = arith.constant 0 : i32
      %dma_wait3A_693 = tpu.memref_slice %arg6[%dma_wait3A_686, %dma_wait3A_692] : memref<16x50xi32, #tpu.memory_space<vmem>> -> memref<1x50xi32, #tpu.memory_space<vmem>>
      %dma_wait3A_694 = tpu.memref_squeeze %dma_wait3A_693 : memref<1x50xi32, #tpu.memory_space<vmem>> -> memref<50xi32, #tpu.memory_space<vmem>>
      %dma_wait3A_695 = arith.constant 0 : i32
      %dma_wait3A_696 = arith.constant 0 : i32
      %dma_wait3A_697 = tpu.memref_slice %arg3[%dma_wait3A_695, %dma_wait3A_696] : memref<1000000x64xf32, #tpu.memory_space<hbm>> -> memref<1000000x64xf32, #tpu.memory_space<hbm>>
      tpu.wait_indirect_dma semaphore(%arg10 : memref<!tpu.dma_semaphore, #tpu.memory_space<semaphore_mem>>) src(%dma_wait3A_697 : memref<1000000x64xf32, #tpu.memory_space<hbm>>) dst(%dma_wait3A_691 : memref<50x64xf32, #tpu.memory_space<vmem>>)
      %dma_wait3A_698 = arith.constant 8 : i32
      %dma_wait3A_699 = arith.constant 8 : i32
      %dma_wait3A_700 = arith.constant 0 : i32
      %dma_wait3A_701 = arith.constant 0 : i32
      %dma_wait3A_702 = tpu.memref_slice %arg8[%dma_wait3A_699, %dma_wait3A_700, %dma_wait3A_701] : memref<16x50x64xf32, #tpu.memory_space<vmem>> -> memref<1x50x64xf32, #tpu.memory_space<vmem>>
      %dma_wait3A_703 = tpu.memref_squeeze %dma_wait3A_702 : memref<1x50x64xf32, #tpu.memory_space<vmem>> -> memref<50x64xf32, #tpu.memory_space<vmem>>
      %dma_wait3A_704 = arith.constant 0 : i32
      %dma_wait3A_705 = tpu.memref_slice %arg6[%dma_wait3A_698, %dma_wait3A_704] : memref<16x50xi32, #tpu.memory_space<vmem>> -> memref<1x50xi32, #tpu.memory_space<vmem>>
      %dma_wait3A_706 = tpu.memref_squeeze %dma_wait3A_705 : memref<1x50xi32, #tpu.memory_space<vmem>> -> memref<50xi32, #tpu.memory_space<vmem>>
      %dma_wait3A_707 = arith.constant 0 : i32
      %dma_wait3A_708 = arith.constant 0 : i32
      %dma_wait3A_709 = tpu.memref_slice %arg3[%dma_wait3A_707, %dma_wait3A_708] : memref<1000000x64xf32, #tpu.memory_space<hbm>> -> memref<1000000x64xf32, #tpu.memory_space<hbm>>
      tpu.wait_indirect_dma semaphore(%arg10 : memref<!tpu.dma_semaphore, #tpu.memory_space<semaphore_mem>>) src(%dma_wait3A_709 : memref<1000000x64xf32, #tpu.memory_space<hbm>>) dst(%dma_wait3A_703 : memref<50x64xf32, #tpu.memory_space<vmem>>)
      %dma_wait3A_710 = arith.constant 9 : i32
      %dma_wait3A_711 = arith.constant 9 : i32
      %dma_wait3A_712 = arith.constant 0 : i32
      %dma_wait3A_713 = arith.constant 0 : i32
      %dma_wait3A_714 = tpu.memref_slice %arg8[%dma_wait3A_711, %dma_wait3A_712, %dma_wait3A_713] : memref<16x50x64xf32, #tpu.memory_space<vmem>> -> memref<1x50x64xf32, #tpu.memory_space<vmem>>
      %dma_wait3A_715 = tpu.memref_squeeze %dma_wait3A_714 : memref<1x50x64xf32, #tpu.memory_space<vmem>> -> memref<50x64xf32, #tpu.memory_space<vmem>>
      %dma_wait3A_716 = arith.constant 0 : i32
      %dma_wait3A_717 = tpu.memref_slice %arg6[%dma_wait3A_710, %dma_wait3A_716] : memref<16x50xi32, #tpu.memory_space<vmem>> -> memref<1x50xi32, #tpu.memory_space<vmem>>
      %dma_wait3A_718 = tpu.memref_squeeze %dma_wait3A_717 : memref<1x50xi32, #tpu.memory_space<vmem>> -> memref<50xi32, #tpu.memory_space<vmem>>
      %dma_wait3A_719 = arith.constant 0 : i32
      %dma_wait3A_720 = arith.constant 0 : i32
      %dma_wait3A_721 = tpu.memref_slice %arg3[%dma_wait3A_719, %dma_wait3A_720] : memref<1000000x64xf32, #tpu.memory_space<hbm>> -> memref<1000000x64xf32, #tpu.memory_space<hbm>>
      tpu.wait_indirect_dma semaphore(%arg10 : memref<!tpu.dma_semaphore, #tpu.memory_space<semaphore_mem>>) src(%dma_wait3A_721 : memref<1000000x64xf32, #tpu.memory_space<hbm>>) dst(%dma_wait3A_715 : memref<50x64xf32, #tpu.memory_space<vmem>>)
      %dma_wait3A_722 = arith.constant 10 : i32
      %dma_wait3A_723 = arith.constant 10 : i32
      %dma_wait3A_724 = arith.constant 0 : i32
      %dma_wait3A_725 = arith.constant 0 : i32
      %dma_wait3A_726 = tpu.memref_slice %arg8[%dma_wait3A_723, %dma_wait3A_724, %dma_wait3A_725] : memref<16x50x64xf32, #tpu.memory_space<vmem>> -> memref<1x50x64xf32, #tpu.memory_space<vmem>>
      %dma_wait3A_727 = tpu.memref_squeeze %dma_wait3A_726 : memref<1x50x64xf32, #tpu.memory_space<vmem>> -> memref<50x64xf32, #tpu.memory_space<vmem>>
      %dma_wait3A_728 = arith.constant 0 : i32
      %dma_wait3A_729 = tpu.memref_slice %arg6[%dma_wait3A_722, %dma_wait3A_728] : memref<16x50xi32, #tpu.memory_space<vmem>> -> memref<1x50xi32, #tpu.memory_space<vmem>>
      %dma_wait3A_730 = tpu.memref_squeeze %dma_wait3A_729 : memref<1x50xi32, #tpu.memory_space<vmem>> -> memref<50xi32, #tpu.memory_space<vmem>>
      %dma_wait3A_731 = arith.constant 0 : i32
      %dma_wait3A_732 = arith.constant 0 : i32
      %dma_wait3A_733 = tpu.memref_slice %arg3[%dma_wait3A_731, %dma_wait3A_732] : memref<1000000x64xf32, #tpu.memory_space<hbm>> -> memref<1000000x64xf32, #tpu.memory_space<hbm>>
      tpu.wait_indirect_dma semaphore(%arg10 : memref<!tpu.dma_semaphore, #tpu.memory_space<semaphore_mem>>) src(%dma_wait3A_733 : memref<1000000x64xf32, #tpu.memory_space<hbm>>) dst(%dma_wait3A_727 : memref<50x64xf32, #tpu.memory_space<vmem>>)
      %dma_wait3A_734 = arith.constant 11 : i32
      %dma_wait3A_735 = arith.constant 11 : i32
      %dma_wait3A_736 = arith.constant 0 : i32
      %dma_wait3A_737 = arith.constant 0 : i32
      %dma_wait3A_738 = tpu.memref_slice %arg8[%dma_wait3A_735, %dma_wait3A_736, %dma_wait3A_737] : memref<16x50x64xf32, #tpu.memory_space<vmem>> -> memref<1x50x64xf32, #tpu.memory_space<vmem>>
      %dma_wait3A_739 = tpu.memref_squeeze %dma_wait3A_738 : memref<1x50x64xf32, #tpu.memory_space<vmem>> -> memref<50x64xf32, #tpu.memory_space<vmem>>
      %dma_wait3A_740 = arith.constant 0 : i32
      %dma_wait3A_741 = tpu.memref_slice %arg6[%dma_wait3A_734, %dma_wait3A_740] : memref<16x50xi32, #tpu.memory_space<vmem>> -> memref<1x50xi32, #tpu.memory_space<vmem>>
      %dma_wait3A_742 = tpu.memref_squeeze %dma_wait3A_741 : memref<1x50xi32, #tpu.memory_space<vmem>> -> memref<50xi32, #tpu.memory_space<vmem>>
      %dma_wait3A_743 = arith.constant 0 : i32
      %dma_wait3A_744 = arith.constant 0 : i32
      %dma_wait3A_745 = tpu.memref_slice %arg3[%dma_wait3A_743, %dma_wait3A_744] : memref<1000000x64xf32, #tpu.memory_space<hbm>> -> memref<1000000x64xf32, #tpu.memory_space<hbm>>
      tpu.wait_indirect_dma semaphore(%arg10 : memref<!tpu.dma_semaphore, #tpu.memory_space<semaphore_mem>>) src(%dma_wait3A_745 : memref<1000000x64xf32, #tpu.memory_space<hbm>>) dst(%dma_wait3A_739 : memref<50x64xf32, #tpu.memory_space<vmem>>)
      %dma_wait3A_746 = arith.constant 12 : i32
      %dma_wait3A_747 = arith.constant 12 : i32
      %dma_wait3A_748 = arith.constant 0 : i32
      %dma_wait3A_749 = arith.constant 0 : i32
      %dma_wait3A_750 = tpu.memref_slice %arg8[%dma_wait3A_747, %dma_wait3A_748, %dma_wait3A_749] : memref<16x50x64xf32, #tpu.memory_space<vmem>> -> memref<1x50x64xf32, #tpu.memory_space<vmem>>
      %dma_wait3A_751 = tpu.memref_squeeze %dma_wait3A_750 : memref<1x50x64xf32, #tpu.memory_space<vmem>> -> memref<50x64xf32, #tpu.memory_space<vmem>>
      %dma_wait3A_752 = arith.constant 0 : i32
      %dma_wait3A_753 = tpu.memref_slice %arg6[%dma_wait3A_746, %dma_wait3A_752] : memref<16x50xi32, #tpu.memory_space<vmem>> -> memref<1x50xi32, #tpu.memory_space<vmem>>
      %dma_wait3A_754 = tpu.memref_squeeze %dma_wait3A_753 : memref<1x50xi32, #tpu.memory_space<vmem>> -> memref<50xi32, #tpu.memory_space<vmem>>
      %dma_wait3A_755 = arith.constant 0 : i32
      %dma_wait3A_756 = arith.constant 0 : i32
      %dma_wait3A_757 = tpu.memref_slice %arg3[%dma_wait3A_755, %dma_wait3A_756] : memref<1000000x64xf32, #tpu.memory_space<hbm>> -> memref<1000000x64xf32, #tpu.memory_space<hbm>>
      tpu.wait_indirect_dma semaphore(%arg10 : memref<!tpu.dma_semaphore, #tpu.memory_space<semaphore_mem>>) src(%dma_wait3A_757 : memref<1000000x64xf32, #tpu.memory_space<hbm>>) dst(%dma_wait3A_751 : memref<50x64xf32, #tpu.memory_space<vmem>>)
      %dma_wait3A_758 = arith.constant 13 : i32
      %dma_wait3A_759 = arith.constant 13 : i32
      %dma_wait3A_760 = arith.constant 0 : i32
      %dma_wait3A_761 = arith.constant 0 : i32
      %dma_wait3A_762 = tpu.memref_slice %arg8[%dma_wait3A_759, %dma_wait3A_760, %dma_wait3A_761] : memref<16x50x64xf32, #tpu.memory_space<vmem>> -> memref<1x50x64xf32, #tpu.memory_space<vmem>>
      %dma_wait3A_763 = tpu.memref_squeeze %dma_wait3A_762 : memref<1x50x64xf32, #tpu.memory_space<vmem>> -> memref<50x64xf32, #tpu.memory_space<vmem>>
      %dma_wait3A_764 = arith.constant 0 : i32
      %dma_wait3A_765 = tpu.memref_slice %arg6[%dma_wait3A_758, %dma_wait3A_764] : memref<16x50xi32, #tpu.memory_space<vmem>> -> memref<1x50xi32, #tpu.memory_space<vmem>>
      %dma_wait3A_766 = tpu.memref_squeeze %dma_wait3A_765 : memref<1x50xi32, #tpu.memory_space<vmem>> -> memref<50xi32, #tpu.memory_space<vmem>>
      %dma_wait3A_767 = arith.constant 0 : i32
      %dma_wait3A_768 = arith.constant 0 : i32
      %dma_wait3A_769 = tpu.memref_slice %arg3[%dma_wait3A_767, %dma_wait3A_768] : memref<1000000x64xf32, #tpu.memory_space<hbm>> -> memref<1000000x64xf32, #tpu.memory_space<hbm>>
      tpu.wait_indirect_dma semaphore(%arg10 : memref<!tpu.dma_semaphore, #tpu.memory_space<semaphore_mem>>) src(%dma_wait3A_769 : memref<1000000x64xf32, #tpu.memory_space<hbm>>) dst(%dma_wait3A_763 : memref<50x64xf32, #tpu.memory_space<vmem>>)
      %dma_wait3A_770 = arith.constant 14 : i32
      %dma_wait3A_771 = arith.constant 14 : i32
      %dma_wait3A_772 = arith.constant 0 : i32
      %dma_wait3A_773 = arith.constant 0 : i32
      %dma_wait3A_774 = tpu.memref_slice %arg8[%dma_wait3A_771, %dma_wait3A_772, %dma_wait3A_773] : memref<16x50x64xf32, #tpu.memory_space<vmem>> -> memref<1x50x64xf32, #tpu.memory_space<vmem>>
      %dma_wait3A_775 = tpu.memref_squeeze %dma_wait3A_774 : memref<1x50x64xf32, #tpu.memory_space<vmem>> -> memref<50x64xf32, #tpu.memory_space<vmem>>
      %dma_wait3A_776 = arith.constant 0 : i32
      %dma_wait3A_777 = tpu.memref_slice %arg6[%dma_wait3A_770, %dma_wait3A_776] : memref<16x50xi32, #tpu.memory_space<vmem>> -> memref<1x50xi32, #tpu.memory_space<vmem>>
      %dma_wait3A_778 = tpu.memref_squeeze %dma_wait3A_777 : memref<1x50xi32, #tpu.memory_space<vmem>> -> memref<50xi32, #tpu.memory_space<vmem>>
      %dma_wait3A_779 = arith.constant 0 : i32
      %dma_wait3A_780 = arith.constant 0 : i32
      %dma_wait3A_781 = tpu.memref_slice %arg3[%dma_wait3A_779, %dma_wait3A_780] : memref<1000000x64xf32, #tpu.memory_space<hbm>> -> memref<1000000x64xf32, #tpu.memory_space<hbm>>
      tpu.wait_indirect_dma semaphore(%arg10 : memref<!tpu.dma_semaphore, #tpu.memory_space<semaphore_mem>>) src(%dma_wait3A_781 : memref<1000000x64xf32, #tpu.memory_space<hbm>>) dst(%dma_wait3A_775 : memref<50x64xf32, #tpu.memory_space<vmem>>)
      %dma_wait3A_782 = arith.constant 15 : i32
      %dma_wait3A_783 = arith.constant 15 : i32
      %dma_wait3A_784 = arith.constant 0 : i32
      %dma_wait3A_785 = arith.constant 0 : i32
      %dma_wait3A_786 = tpu.memref_slice %arg8[%dma_wait3A_783, %dma_wait3A_784, %dma_wait3A_785] : memref<16x50x64xf32, #tpu.memory_space<vmem>> -> memref<1x50x64xf32, #tpu.memory_space<vmem>>
      %dma_wait3A_787 = tpu.memref_squeeze %dma_wait3A_786 : memref<1x50x64xf32, #tpu.memory_space<vmem>> -> memref<50x64xf32, #tpu.memory_space<vmem>>
      %dma_wait3A_788 = arith.constant 0 : i32
      %dma_wait3A_789 = tpu.memref_slice %arg6[%dma_wait3A_782, %dma_wait3A_788] : memref<16x50xi32, #tpu.memory_space<vmem>> -> memref<1x50xi32, #tpu.memory_space<vmem>>
      %dma_wait3A_790 = tpu.memref_squeeze %dma_wait3A_789 : memref<1x50xi32, #tpu.memory_space<vmem>> -> memref<50xi32, #tpu.memory_space<vmem>>
      %dma_wait3A_791 = arith.constant 0 : i32
      %dma_wait3A_792 = arith.constant 0 : i32
      %dma_wait3A_793 = tpu.memref_slice %arg3[%dma_wait3A_791, %dma_wait3A_792] : memref<1000000x64xf32, #tpu.memory_space<hbm>> -> memref<1000000x64xf32, #tpu.memory_space<hbm>>
      tpu.wait_indirect_dma semaphore(%arg10 : memref<!tpu.dma_semaphore, #tpu.memory_space<semaphore_mem>>) src(%dma_wait3A_793 : memref<1000000x64xf32, #tpu.memory_space<hbm>>) dst(%dma_wait3A_787 : memref<50x64xf32, #tpu.memory_space<vmem>>)
      %add3A_794 = arith.constant 1 : i32
      %add3A_795 = arith.addi %mul3A_398, %add3A_794 : i32
      %mul3A_796 = arith.constant 16 : i32
      %mul3A_797 = arith.muli %add3A_795, %mul3A_796 : i32
      %add3A_798 = arith.addi %mul3A_2, %mul3A_797 : i32
      %multiple_of3A_799 = tpu.assume_multiple %add3A_798, 16 : i32
      %dma_start3A_800 = arith.constant 0 : i32
      %dma_start3A_801 = arith.constant 0 : i32
      %dma_start3A_802 = tpu.memref_slice %arg4[%multiple_of3A_799, %dma_start3A_800, %dma_start3A_801] : memref<16384x50x64xf32, #tpu.memory_space<hbm>> -> memref<16x50x64xf32, #tpu.memory_space<hbm>>
      %dma_start3A_803 = arith.constant 0 : i32
      %dma_start3A_804 = arith.constant 0 : i32
      %dma_start3A_805 = tpu.memref_slice %arg4[%multiple_of3A_799, %dma_start3A_803, %dma_start3A_804] : memref<16384x50x64xf32, #tpu.memory_space<hbm>> -> memref<16x50x64xf32, #tpu.memory_space<hbm>>
      tpu.enqueue_dma source(%arg8 : memref<16x50x64xf32, #tpu.memory_space<vmem>>) target(%dma_start3A_805 : memref<16x50x64xf32, #tpu.memory_space<hbm>>) target_semaphore(%arg12 : memref<!tpu.dma_semaphore, #tpu.memory_space<semaphore_mem>>)
      %add3A_806 = arith.constant 0 : i32
      %add3A_807 = arith.addi %mul3A_398, %add3A_806 : i32
      %add3A_808 = arith.constant 2 : i32
      %add3A_809 = arith.addi %add3A_807, %add3A_808 : i32
      %lt3A = arith.constant 32 : i32
      %lt3A_810 = arith.cmpi slt, %add3A_809, %lt3A : i32
      %convert_element_type3A = arith.extui %lt3A_810 : i1 to i32
      %cond3A = arith.constant 0 : i32
      %cond3A_811 = arith.cmpi ne, %convert_element_type3A, %cond3A : i32
      scf.if %cond3A_811 {
        %add3A_838 = arith.constant 0 : i32
        %add3A_839 = arith.addi %mul3A_398, %add3A_838 : i32
        %add3A_840 = arith.constant 2 : i32
        %add3A_841 = arith.addi %add3A_839, %add3A_840 : i32
        %mul3A_842 = arith.constant 16 : i32
        %mul3A_843 = arith.muli %add3A_841, %mul3A_842 : i32
        %add3A_844 = arith.addi %mul3A_2, %mul3A_843 : i32
        %multiple_of3A_845 = tpu.assume_multiple %add3A_844, 16 : i32
        "tpu.region"() ({
          %run_scoped3A = tpu.sem_alloc : memref<!tpu.dma_semaphore, #tpu.memory_space<semaphore_mem>>
          %dma_start3A_1050 = arith.constant 0 : i32
          %dma_start3A_1051 = tpu.memref_slice %arg2[%multiple_of3A_845, %dma_start3A_1050] : memref<16384x50xi32, #tpu.memory_space<hbm>> -> memref<16x50xi32, #tpu.memory_space<hbm>>
          %dma_start3A_1052 = arith.constant 0 : i32
          %dma_start3A_1053 = tpu.memref_slice %arg2[%multiple_of3A_845, %dma_start3A_1052] : memref<16384x50xi32, #tpu.memory_space<hbm>> -> memref<16x50xi32, #tpu.memory_space<hbm>>
          tpu.enqueue_dma source(%dma_start3A_1053 : memref<16x50xi32, #tpu.memory_space<hbm>>) target(%arg5 : memref<16x50xi32, #tpu.memory_space<vmem>>) target_semaphore(%run_scoped3A : memref<!tpu.dma_semaphore, #tpu.memory_space<semaphore_mem>>)
          %dma_wait3A_1054 = arith.constant 0 : i32
          %dma_wait3A_1055 = tpu.memref_slice %arg2[%multiple_of3A_845, %dma_wait3A_1054] : memref<16384x50xi32, #tpu.memory_space<hbm>> -> memref<16x50xi32, #tpu.memory_space<hbm>>
          %dma_wait3A_1056 = arith.constant 0 : i32
          %dma_wait3A_1057 = tpu.memref_slice %arg2[%multiple_of3A_845, %dma_wait3A_1056] : memref<16384x50xi32, #tpu.memory_space<hbm>> -> memref<16x50xi32, #tpu.memory_space<hbm>>
          tpu.wait_dma2 semaphore(%run_scoped3A : memref<!tpu.dma_semaphore, #tpu.memory_space<semaphore_mem>>) src(%dma_wait3A_1057 : memref<16x50xi32, #tpu.memory_space<hbm>>) dst(%arg5 : memref<16x50xi32, #tpu.memory_space<vmem>>)
          tpu.yield
        }) : () -> ()
        %add3A_846 = arith.constant 0 : i32
        %add3A_847 = arith.addi %mul3A_398, %add3A_846 : i32
        %mul3A_848 = arith.constant 16 : i32
        %mul3A_849 = arith.muli %add3A_847, %mul3A_848 : i32
        %add3A_850 = arith.addi %mul3A_2, %mul3A_849 : i32
        %multiple_of3A_851 = tpu.assume_multiple %add3A_850, 16 : i32
        %dma_wait3A_852 = arith.constant 0 : i32
        %dma_wait3A_853 = arith.constant 0 : i32
        %dma_wait3A_854 = tpu.memref_slice %arg4[%multiple_of3A_851, %dma_wait3A_852, %dma_wait3A_853] : memref<16384x50x64xf32, #tpu.memory_space<hbm>> -> memref<16x50x64xf32, #tpu.memory_space<hbm>>
        %dma_wait3A_855 = arith.constant 0 : i32
        %dma_wait3A_856 = arith.constant 0 : i32
        %dma_wait3A_857 = tpu.memref_slice %arg4[%multiple_of3A_851, %dma_wait3A_855, %dma_wait3A_856] : memref<16384x50x64xf32, #tpu.memory_space<hbm>> -> memref<16x50x64xf32, #tpu.memory_space<hbm>>
        tpu.wait_dma2 semaphore(%arg11 : memref<!tpu.dma_semaphore, #tpu.memory_space<semaphore_mem>>) src(%arg7 : memref<16x50x64xf32, #tpu.memory_space<vmem>>) dst(%dma_wait3A_857 : memref<16x50x64xf32, #tpu.memory_space<hbm>>)
        %dma_start3A_858 = arith.constant 0 : i32
        %dma_start3A_859 = arith.constant 0 : i32
        %dma_start3A_860 = arith.constant 0 : i32
        %dma_start3A_861 = arith.constant 0 : i32
        %dma_start3A_862 = tpu.memref_slice %arg7[%dma_start3A_859, %dma_start3A_860, %dma_start3A_861] : memref<16x50x64xf32, #tpu.memory_space<vmem>> -> memref<1x50x64xf32, #tpu.memory_space<vmem>>
        %dma_start3A_863 = tpu.memref_squeeze %dma_start3A_862 : memref<1x50x64xf32, #tpu.memory_space<vmem>> -> memref<50x64xf32, #tpu.memory_space<vmem>>
        %dma_start3A_864 = arith.constant 0 : i32
        %dma_start3A_865 = tpu.memref_slice %arg5[%dma_start3A_858, %dma_start3A_864] : memref<16x50xi32, #tpu.memory_space<vmem>> -> memref<1x50xi32, #tpu.memory_space<vmem>>
        %dma_start3A_866 = tpu.memref_squeeze %dma_start3A_865 : memref<1x50xi32, #tpu.memory_space<vmem>> -> memref<50xi32, #tpu.memory_space<vmem>>
        %dma_start3A_867 = arith.constant 0 : i32
        %dma_start3A_868 = arith.constant 0 : i32
        %dma_start3A_869 = tpu.memref_slice %arg3[%dma_start3A_867, %dma_start3A_868] : memref<1000000x64xf32, #tpu.memory_space<hbm>> -> memref<1000000x64xf32, #tpu.memory_space<hbm>>
        tpu.enqueue_indirect_dma source(%dma_start3A_869 : memref<1000000x64xf32, #tpu.memory_space<hbm>>) target(%dma_start3A_863 : memref<50x64xf32, #tpu.memory_space<vmem>>) offsets(%dma_start3A_866 : memref<50xi32, #tpu.memory_space<vmem>>) semaphore(%arg9 : memref<!tpu.dma_semaphore, #tpu.memory_space<semaphore_mem>>)
        %dma_start3A_870 = arith.constant 1 : i32
        %dma_start3A_871 = arith.constant 1 : i32
        %dma_start3A_872 = arith.constant 0 : i32
        %dma_start3A_873 = arith.constant 0 : i32
        %dma_start3A_874 = tpu.memref_slice %arg7[%dma_start3A_871, %dma_start3A_872, %dma_start3A_873] : memref<16x50x64xf32, #tpu.memory_space<vmem>> -> memref<1x50x64xf32, #tpu.memory_space<vmem>>
        %dma_start3A_875 = tpu.memref_squeeze %dma_start3A_874 : memref<1x50x64xf32, #tpu.memory_space<vmem>> -> memref<50x64xf32, #tpu.memory_space<vmem>>
        %dma_start3A_876 = arith.constant 0 : i32
        %dma_start3A_877 = tpu.memref_slice %arg5[%dma_start3A_870, %dma_start3A_876] : memref<16x50xi32, #tpu.memory_space<vmem>> -> memref<1x50xi32, #tpu.memory_space<vmem>>
        %dma_start3A_878 = tpu.memref_squeeze %dma_start3A_877 : memref<1x50xi32, #tpu.memory_space<vmem>> -> memref<50xi32, #tpu.memory_space<vmem>>
        %dma_start3A_879 = arith.constant 0 : i32
        %dma_start3A_880 = arith.constant 0 : i32
        %dma_start3A_881 = tpu.memref_slice %arg3[%dma_start3A_879, %dma_start3A_880] : memref<1000000x64xf32, #tpu.memory_space<hbm>> -> memref<1000000x64xf32, #tpu.memory_space<hbm>>
        tpu.enqueue_indirect_dma source(%dma_start3A_881 : memref<1000000x64xf32, #tpu.memory_space<hbm>>) target(%dma_start3A_875 : memref<50x64xf32, #tpu.memory_space<vmem>>) offsets(%dma_start3A_878 : memref<50xi32, #tpu.memory_space<vmem>>) semaphore(%arg9 : memref<!tpu.dma_semaphore, #tpu.memory_space<semaphore_mem>>)
        %dma_start3A_882 = arith.constant 2 : i32
        %dma_start3A_883 = arith.constant 2 : i32
        %dma_start3A_884 = arith.constant 0 : i32
        %dma_start3A_885 = arith.constant 0 : i32
        %dma_start3A_886 = tpu.memref_slice %arg7[%dma_start3A_883, %dma_start3A_884, %dma_start3A_885] : memref<16x50x64xf32, #tpu.memory_space<vmem>> -> memref<1x50x64xf32, #tpu.memory_space<vmem>>
        %dma_start3A_887 = tpu.memref_squeeze %dma_start3A_886 : memref<1x50x64xf32, #tpu.memory_space<vmem>> -> memref<50x64xf32, #tpu.memory_space<vmem>>
        %dma_start3A_888 = arith.constant 0 : i32
        %dma_start3A_889 = tpu.memref_slice %arg5[%dma_start3A_882, %dma_start3A_888] : memref<16x50xi32, #tpu.memory_space<vmem>> -> memref<1x50xi32, #tpu.memory_space<vmem>>
        %dma_start3A_890 = tpu.memref_squeeze %dma_start3A_889 : memref<1x50xi32, #tpu.memory_space<vmem>> -> memref<50xi32, #tpu.memory_space<vmem>>
        %dma_start3A_891 = arith.constant 0 : i32
        %dma_start3A_892 = arith.constant 0 : i32
        %dma_start3A_893 = tpu.memref_slice %arg3[%dma_start3A_891, %dma_start3A_892] : memref<1000000x64xf32, #tpu.memory_space<hbm>> -> memref<1000000x64xf32, #tpu.memory_space<hbm>>
        tpu.enqueue_indirect_dma source(%dma_start3A_893 : memref<1000000x64xf32, #tpu.memory_space<hbm>>) target(%dma_start3A_887 : memref<50x64xf32, #tpu.memory_space<vmem>>) offsets(%dma_start3A_890 : memref<50xi32, #tpu.memory_space<vmem>>) semaphore(%arg9 : memref<!tpu.dma_semaphore, #tpu.memory_space<semaphore_mem>>)
        %dma_start3A_894 = arith.constant 3 : i32
        %dma_start3A_895 = arith.constant 3 : i32
        %dma_start3A_896 = arith.constant 0 : i32
        %dma_start3A_897 = arith.constant 0 : i32
        %dma_start3A_898 = tpu.memref_slice %arg7[%dma_start3A_895, %dma_start3A_896, %dma_start3A_897] : memref<16x50x64xf32, #tpu.memory_space<vmem>> -> memref<1x50x64xf32, #tpu.memory_space<vmem>>
        %dma_start3A_899 = tpu.memref_squeeze %dma_start3A_898 : memref<1x50x64xf32, #tpu.memory_space<vmem>> -> memref<50x64xf32, #tpu.memory_space<vmem>>
        %dma_start3A_900 = arith.constant 0 : i32
        %dma_start3A_901 = tpu.memref_slice %arg5[%dma_start3A_894, %dma_start3A_900] : memref<16x50xi32, #tpu.memory_space<vmem>> -> memref<1x50xi32, #tpu.memory_space<vmem>>
        %dma_start3A_902 = tpu.memref_squeeze %dma_start3A_901 : memref<1x50xi32, #tpu.memory_space<vmem>> -> memref<50xi32, #tpu.memory_space<vmem>>
        %dma_start3A_903 = arith.constant 0 : i32
        %dma_start3A_904 = arith.constant 0 : i32
        %dma_start3A_905 = tpu.memref_slice %arg3[%dma_start3A_903, %dma_start3A_904] : memref<1000000x64xf32, #tpu.memory_space<hbm>> -> memref<1000000x64xf32, #tpu.memory_space<hbm>>
        tpu.enqueue_indirect_dma source(%dma_start3A_905 : memref<1000000x64xf32, #tpu.memory_space<hbm>>) target(%dma_start3A_899 : memref<50x64xf32, #tpu.memory_space<vmem>>) offsets(%dma_start3A_902 : memref<50xi32, #tpu.memory_space<vmem>>) semaphore(%arg9 : memref<!tpu.dma_semaphore, #tpu.memory_space<semaphore_mem>>)
        %dma_start3A_906 = arith.constant 4 : i32
        %dma_start3A_907 = arith.constant 4 : i32
        %dma_start3A_908 = arith.constant 0 : i32
        %dma_start3A_909 = arith.constant 0 : i32
        %dma_start3A_910 = tpu.memref_slice %arg7[%dma_start3A_907, %dma_start3A_908, %dma_start3A_909] : memref<16x50x64xf32, #tpu.memory_space<vmem>> -> memref<1x50x64xf32, #tpu.memory_space<vmem>>
        %dma_start3A_911 = tpu.memref_squeeze %dma_start3A_910 : memref<1x50x64xf32, #tpu.memory_space<vmem>> -> memref<50x64xf32, #tpu.memory_space<vmem>>
        %dma_start3A_912 = arith.constant 0 : i32
        %dma_start3A_913 = tpu.memref_slice %arg5[%dma_start3A_906, %dma_start3A_912] : memref<16x50xi32, #tpu.memory_space<vmem>> -> memref<1x50xi32, #tpu.memory_space<vmem>>
        %dma_start3A_914 = tpu.memref_squeeze %dma_start3A_913 : memref<1x50xi32, #tpu.memory_space<vmem>> -> memref<50xi32, #tpu.memory_space<vmem>>
        %dma_start3A_915 = arith.constant 0 : i32
        %dma_start3A_916 = arith.constant 0 : i32
        %dma_start3A_917 = tpu.memref_slice %arg3[%dma_start3A_915, %dma_start3A_916] : memref<1000000x64xf32, #tpu.memory_space<hbm>> -> memref<1000000x64xf32, #tpu.memory_space<hbm>>
        tpu.enqueue_indirect_dma source(%dma_start3A_917 : memref<1000000x64xf32, #tpu.memory_space<hbm>>) target(%dma_start3A_911 : memref<50x64xf32, #tpu.memory_space<vmem>>) offsets(%dma_start3A_914 : memref<50xi32, #tpu.memory_space<vmem>>) semaphore(%arg9 : memref<!tpu.dma_semaphore, #tpu.memory_space<semaphore_mem>>)
        %dma_start3A_918 = arith.constant 5 : i32
        %dma_start3A_919 = arith.constant 5 : i32
        %dma_start3A_920 = arith.constant 0 : i32
        %dma_start3A_921 = arith.constant 0 : i32
        %dma_start3A_922 = tpu.memref_slice %arg7[%dma_start3A_919, %dma_start3A_920, %dma_start3A_921] : memref<16x50x64xf32, #tpu.memory_space<vmem>> -> memref<1x50x64xf32, #tpu.memory_space<vmem>>
        %dma_start3A_923 = tpu.memref_squeeze %dma_start3A_922 : memref<1x50x64xf32, #tpu.memory_space<vmem>> -> memref<50x64xf32, #tpu.memory_space<vmem>>
        %dma_start3A_924 = arith.constant 0 : i32
        %dma_start3A_925 = tpu.memref_slice %arg5[%dma_start3A_918, %dma_start3A_924] : memref<16x50xi32, #tpu.memory_space<vmem>> -> memref<1x50xi32, #tpu.memory_space<vmem>>
        %dma_start3A_926 = tpu.memref_squeeze %dma_start3A_925 : memref<1x50xi32, #tpu.memory_space<vmem>> -> memref<50xi32, #tpu.memory_space<vmem>>
        %dma_start3A_927 = arith.constant 0 : i32
        %dma_start3A_928 = arith.constant 0 : i32
        %dma_start3A_929 = tpu.memref_slice %arg3[%dma_start3A_927, %dma_start3A_928] : memref<1000000x64xf32, #tpu.memory_space<hbm>> -> memref<1000000x64xf32, #tpu.memory_space<hbm>>
        tpu.enqueue_indirect_dma source(%dma_start3A_929 : memref<1000000x64xf32, #tpu.memory_space<hbm>>) target(%dma_start3A_923 : memref<50x64xf32, #tpu.memory_space<vmem>>) offsets(%dma_start3A_926 : memref<50xi32, #tpu.memory_space<vmem>>) semaphore(%arg9 : memref<!tpu.dma_semaphore, #tpu.memory_space<semaphore_mem>>)
        %dma_start3A_930 = arith.constant 6 : i32
        %dma_start3A_931 = arith.constant 6 : i32
        %dma_start3A_932 = arith.constant 0 : i32
        %dma_start3A_933 = arith.constant 0 : i32
        %dma_start3A_934 = tpu.memref_slice %arg7[%dma_start3A_931, %dma_start3A_932, %dma_start3A_933] : memref<16x50x64xf32, #tpu.memory_space<vmem>> -> memref<1x50x64xf32, #tpu.memory_space<vmem>>
        %dma_start3A_935 = tpu.memref_squeeze %dma_start3A_934 : memref<1x50x64xf32, #tpu.memory_space<vmem>> -> memref<50x64xf32, #tpu.memory_space<vmem>>
        %dma_start3A_936 = arith.constant 0 : i32
        %dma_start3A_937 = tpu.memref_slice %arg5[%dma_start3A_930, %dma_start3A_936] : memref<16x50xi32, #tpu.memory_space<vmem>> -> memref<1x50xi32, #tpu.memory_space<vmem>>
        %dma_start3A_938 = tpu.memref_squeeze %dma_start3A_937 : memref<1x50xi32, #tpu.memory_space<vmem>> -> memref<50xi32, #tpu.memory_space<vmem>>
        %dma_start3A_939 = arith.constant 0 : i32
        %dma_start3A_940 = arith.constant 0 : i32
        %dma_start3A_941 = tpu.memref_slice %arg3[%dma_start3A_939, %dma_start3A_940] : memref<1000000x64xf32, #tpu.memory_space<hbm>> -> memref<1000000x64xf32, #tpu.memory_space<hbm>>
        tpu.enqueue_indirect_dma source(%dma_start3A_941 : memref<1000000x64xf32, #tpu.memory_space<hbm>>) target(%dma_start3A_935 : memref<50x64xf32, #tpu.memory_space<vmem>>) offsets(%dma_start3A_938 : memref<50xi32, #tpu.memory_space<vmem>>) semaphore(%arg9 : memref<!tpu.dma_semaphore, #tpu.memory_space<semaphore_mem>>)
        %dma_start3A_942 = arith.constant 7 : i32
        %dma_start3A_943 = arith.constant 7 : i32
        %dma_start3A_944 = arith.constant 0 : i32
        %dma_start3A_945 = arith.constant 0 : i32
        %dma_start3A_946 = tpu.memref_slice %arg7[%dma_start3A_943, %dma_start3A_944, %dma_start3A_945] : memref<16x50x64xf32, #tpu.memory_space<vmem>> -> memref<1x50x64xf32, #tpu.memory_space<vmem>>
        %dma_start3A_947 = tpu.memref_squeeze %dma_start3A_946 : memref<1x50x64xf32, #tpu.memory_space<vmem>> -> memref<50x64xf32, #tpu.memory_space<vmem>>
        %dma_start3A_948 = arith.constant 0 : i32
        %dma_start3A_949 = tpu.memref_slice %arg5[%dma_start3A_942, %dma_start3A_948] : memref<16x50xi32, #tpu.memory_space<vmem>> -> memref<1x50xi32, #tpu.memory_space<vmem>>
        %dma_start3A_950 = tpu.memref_squeeze %dma_start3A_949 : memref<1x50xi32, #tpu.memory_space<vmem>> -> memref<50xi32, #tpu.memory_space<vmem>>
        %dma_start3A_951 = arith.constant 0 : i32
        %dma_start3A_952 = arith.constant 0 : i32
        %dma_start3A_953 = tpu.memref_slice %arg3[%dma_start3A_951, %dma_start3A_952] : memref<1000000x64xf32, #tpu.memory_space<hbm>> -> memref<1000000x64xf32, #tpu.memory_space<hbm>>
        tpu.enqueue_indirect_dma source(%dma_start3A_953 : memref<1000000x64xf32, #tpu.memory_space<hbm>>) target(%dma_start3A_947 : memref<50x64xf32, #tpu.memory_space<vmem>>) offsets(%dma_start3A_950 : memref<50xi32, #tpu.memory_space<vmem>>) semaphore(%arg9 : memref<!tpu.dma_semaphore, #tpu.memory_space<semaphore_mem>>)
        %dma_start3A_954 = arith.constant 8 : i32
        %dma_start3A_955 = arith.constant 8 : i32
        %dma_start3A_956 = arith.constant 0 : i32
        %dma_start3A_957 = arith.constant 0 : i32
        %dma_start3A_958 = tpu.memref_slice %arg7[%dma_start3A_955, %dma_start3A_956, %dma_start3A_957] : memref<16x50x64xf32, #tpu.memory_space<vmem>> -> memref<1x50x64xf32, #tpu.memory_space<vmem>>
        %dma_start3A_959 = tpu.memref_squeeze %dma_start3A_958 : memref<1x50x64xf32, #tpu.memory_space<vmem>> -> memref<50x64xf32, #tpu.memory_space<vmem>>
        %dma_start3A_960 = arith.constant 0 : i32
        %dma_start3A_961 = tpu.memref_slice %arg5[%dma_start3A_954, %dma_start3A_960] : memref<16x50xi32, #tpu.memory_space<vmem>> -> memref<1x50xi32, #tpu.memory_space<vmem>>
        %dma_start3A_962 = tpu.memref_squeeze %dma_start3A_961 : memref<1x50xi32, #tpu.memory_space<vmem>> -> memref<50xi32, #tpu.memory_space<vmem>>
        %dma_start3A_963 = arith.constant 0 : i32
        %dma_start3A_964 = arith.constant 0 : i32
        %dma_start3A_965 = tpu.memref_slice %arg3[%dma_start3A_963, %dma_start3A_964] : memref<1000000x64xf32, #tpu.memory_space<hbm>> -> memref<1000000x64xf32, #tpu.memory_space<hbm>>
        tpu.enqueue_indirect_dma source(%dma_start3A_965 : memref<1000000x64xf32, #tpu.memory_space<hbm>>) target(%dma_start3A_959 : memref<50x64xf32, #tpu.memory_space<vmem>>) offsets(%dma_start3A_962 : memref<50xi32, #tpu.memory_space<vmem>>) semaphore(%arg9 : memref<!tpu.dma_semaphore, #tpu.memory_space<semaphore_mem>>)
        %dma_start3A_966 = arith.constant 9 : i32
        %dma_start3A_967 = arith.constant 9 : i32
        %dma_start3A_968 = arith.constant 0 : i32
        %dma_start3A_969 = arith.constant 0 : i32
        %dma_start3A_970 = tpu.memref_slice %arg7[%dma_start3A_967, %dma_start3A_968, %dma_start3A_969] : memref<16x50x64xf32, #tpu.memory_space<vmem>> -> memref<1x50x64xf32, #tpu.memory_space<vmem>>
        %dma_start3A_971 = tpu.memref_squeeze %dma_start3A_970 : memref<1x50x64xf32, #tpu.memory_space<vmem>> -> memref<50x64xf32, #tpu.memory_space<vmem>>
        %dma_start3A_972 = arith.constant 0 : i32
        %dma_start3A_973 = tpu.memref_slice %arg5[%dma_start3A_966, %dma_start3A_972] : memref<16x50xi32, #tpu.memory_space<vmem>> -> memref<1x50xi32, #tpu.memory_space<vmem>>
        %dma_start3A_974 = tpu.memref_squeeze %dma_start3A_973 : memref<1x50xi32, #tpu.memory_space<vmem>> -> memref<50xi32, #tpu.memory_space<vmem>>
        %dma_start3A_975 = arith.constant 0 : i32
        %dma_start3A_976 = arith.constant 0 : i32
        %dma_start3A_977 = tpu.memref_slice %arg3[%dma_start3A_975, %dma_start3A_976] : memref<1000000x64xf32, #tpu.memory_space<hbm>> -> memref<1000000x64xf32, #tpu.memory_space<hbm>>
        tpu.enqueue_indirect_dma source(%dma_start3A_977 : memref<1000000x64xf32, #tpu.memory_space<hbm>>) target(%dma_start3A_971 : memref<50x64xf32, #tpu.memory_space<vmem>>) offsets(%dma_start3A_974 : memref<50xi32, #tpu.memory_space<vmem>>) semaphore(%arg9 : memref<!tpu.dma_semaphore, #tpu.memory_space<semaphore_mem>>)
        %dma_start3A_978 = arith.constant 10 : i32
        %dma_start3A_979 = arith.constant 10 : i32
        %dma_start3A_980 = arith.constant 0 : i32
        %dma_start3A_981 = arith.constant 0 : i32
        %dma_start3A_982 = tpu.memref_slice %arg7[%dma_start3A_979, %dma_start3A_980, %dma_start3A_981] : memref<16x50x64xf32, #tpu.memory_space<vmem>> -> memref<1x50x64xf32, #tpu.memory_space<vmem>>
        %dma_start3A_983 = tpu.memref_squeeze %dma_start3A_982 : memref<1x50x64xf32, #tpu.memory_space<vmem>> -> memref<50x64xf32, #tpu.memory_space<vmem>>
        %dma_start3A_984 = arith.constant 0 : i32
        %dma_start3A_985 = tpu.memref_slice %arg5[%dma_start3A_978, %dma_start3A_984] : memref<16x50xi32, #tpu.memory_space<vmem>> -> memref<1x50xi32, #tpu.memory_space<vmem>>
        %dma_start3A_986 = tpu.memref_squeeze %dma_start3A_985 : memref<1x50xi32, #tpu.memory_space<vmem>> -> memref<50xi32, #tpu.memory_space<vmem>>
        %dma_start3A_987 = arith.constant 0 : i32
        %dma_start3A_988 = arith.constant 0 : i32
        %dma_start3A_989 = tpu.memref_slice %arg3[%dma_start3A_987, %dma_start3A_988] : memref<1000000x64xf32, #tpu.memory_space<hbm>> -> memref<1000000x64xf32, #tpu.memory_space<hbm>>
        tpu.enqueue_indirect_dma source(%dma_start3A_989 : memref<1000000x64xf32, #tpu.memory_space<hbm>>) target(%dma_start3A_983 : memref<50x64xf32, #tpu.memory_space<vmem>>) offsets(%dma_start3A_986 : memref<50xi32, #tpu.memory_space<vmem>>) semaphore(%arg9 : memref<!tpu.dma_semaphore, #tpu.memory_space<semaphore_mem>>)
        %dma_start3A_990 = arith.constant 11 : i32
        %dma_start3A_991 = arith.constant 11 : i32
        %dma_start3A_992 = arith.constant 0 : i32
        %dma_start3A_993 = arith.constant 0 : i32
        %dma_start3A_994 = tpu.memref_slice %arg7[%dma_start3A_991, %dma_start3A_992, %dma_start3A_993] : memref<16x50x64xf32, #tpu.memory_space<vmem>> -> memref<1x50x64xf32, #tpu.memory_space<vmem>>
        %dma_start3A_995 = tpu.memref_squeeze %dma_start3A_994 : memref<1x50x64xf32, #tpu.memory_space<vmem>> -> memref<50x64xf32, #tpu.memory_space<vmem>>
        %dma_start3A_996 = arith.constant 0 : i32
        %dma_start3A_997 = tpu.memref_slice %arg5[%dma_start3A_990, %dma_start3A_996] : memref<16x50xi32, #tpu.memory_space<vmem>> -> memref<1x50xi32, #tpu.memory_space<vmem>>
        %dma_start3A_998 = tpu.memref_squeeze %dma_start3A_997 : memref<1x50xi32, #tpu.memory_space<vmem>> -> memref<50xi32, #tpu.memory_space<vmem>>
        %dma_start3A_999 = arith.constant 0 : i32
        %dma_start3A_1000 = arith.constant 0 : i32
        %dma_start3A_1001 = tpu.memref_slice %arg3[%dma_start3A_999, %dma_start3A_1000] : memref<1000000x64xf32, #tpu.memory_space<hbm>> -> memref<1000000x64xf32, #tpu.memory_space<hbm>>
        tpu.enqueue_indirect_dma source(%dma_start3A_1001 : memref<1000000x64xf32, #tpu.memory_space<hbm>>) target(%dma_start3A_995 : memref<50x64xf32, #tpu.memory_space<vmem>>) offsets(%dma_start3A_998 : memref<50xi32, #tpu.memory_space<vmem>>) semaphore(%arg9 : memref<!tpu.dma_semaphore, #tpu.memory_space<semaphore_mem>>)
        %dma_start3A_1002 = arith.constant 12 : i32
        %dma_start3A_1003 = arith.constant 12 : i32
        %dma_start3A_1004 = arith.constant 0 : i32
        %dma_start3A_1005 = arith.constant 0 : i32
        %dma_start3A_1006 = tpu.memref_slice %arg7[%dma_start3A_1003, %dma_start3A_1004, %dma_start3A_1005] : memref<16x50x64xf32, #tpu.memory_space<vmem>> -> memref<1x50x64xf32, #tpu.memory_space<vmem>>
        %dma_start3A_1007 = tpu.memref_squeeze %dma_start3A_1006 : memref<1x50x64xf32, #tpu.memory_space<vmem>> -> memref<50x64xf32, #tpu.memory_space<vmem>>
        %dma_start3A_1008 = arith.constant 0 : i32
        %dma_start3A_1009 = tpu.memref_slice %arg5[%dma_start3A_1002, %dma_start3A_1008] : memref<16x50xi32, #tpu.memory_space<vmem>> -> memref<1x50xi32, #tpu.memory_space<vmem>>
        %dma_start3A_1010 = tpu.memref_squeeze %dma_start3A_1009 : memref<1x50xi32, #tpu.memory_space<vmem>> -> memref<50xi32, #tpu.memory_space<vmem>>
        %dma_start3A_1011 = arith.constant 0 : i32
        %dma_start3A_1012 = arith.constant 0 : i32
        %dma_start3A_1013 = tpu.memref_slice %arg3[%dma_start3A_1011, %dma_start3A_1012] : memref<1000000x64xf32, #tpu.memory_space<hbm>> -> memref<1000000x64xf32, #tpu.memory_space<hbm>>
        tpu.enqueue_indirect_dma source(%dma_start3A_1013 : memref<1000000x64xf32, #tpu.memory_space<hbm>>) target(%dma_start3A_1007 : memref<50x64xf32, #tpu.memory_space<vmem>>) offsets(%dma_start3A_1010 : memref<50xi32, #tpu.memory_space<vmem>>) semaphore(%arg9 : memref<!tpu.dma_semaphore, #tpu.memory_space<semaphore_mem>>)
        %dma_start3A_1014 = arith.constant 13 : i32
        %dma_start3A_1015 = arith.constant 13 : i32
        %dma_start3A_1016 = arith.constant 0 : i32
        %dma_start3A_1017 = arith.constant 0 : i32
        %dma_start3A_1018 = tpu.memref_slice %arg7[%dma_start3A_1015, %dma_start3A_1016, %dma_start3A_1017] : memref<16x50x64xf32, #tpu.memory_space<vmem>> -> memref<1x50x64xf32, #tpu.memory_space<vmem>>
        %dma_start3A_1019 = tpu.memref_squeeze %dma_start3A_1018 : memref<1x50x64xf32, #tpu.memory_space<vmem>> -> memref<50x64xf32, #tpu.memory_space<vmem>>
        %dma_start3A_1020 = arith.constant 0 : i32
        %dma_start3A_1021 = tpu.memref_slice %arg5[%dma_start3A_1014, %dma_start3A_1020] : memref<16x50xi32, #tpu.memory_space<vmem>> -> memref<1x50xi32, #tpu.memory_space<vmem>>
        %dma_start3A_1022 = tpu.memref_squeeze %dma_start3A_1021 : memref<1x50xi32, #tpu.memory_space<vmem>> -> memref<50xi32, #tpu.memory_space<vmem>>
        %dma_start3A_1023 = arith.constant 0 : i32
        %dma_start3A_1024 = arith.constant 0 : i32
        %dma_start3A_1025 = tpu.memref_slice %arg3[%dma_start3A_1023, %dma_start3A_1024] : memref<1000000x64xf32, #tpu.memory_space<hbm>> -> memref<1000000x64xf32, #tpu.memory_space<hbm>>
        tpu.enqueue_indirect_dma source(%dma_start3A_1025 : memref<1000000x64xf32, #tpu.memory_space<hbm>>) target(%dma_start3A_1019 : memref<50x64xf32, #tpu.memory_space<vmem>>) offsets(%dma_start3A_1022 : memref<50xi32, #tpu.memory_space<vmem>>) semaphore(%arg9 : memref<!tpu.dma_semaphore, #tpu.memory_space<semaphore_mem>>)
        %dma_start3A_1026 = arith.constant 14 : i32
        %dma_start3A_1027 = arith.constant 14 : i32
        %dma_start3A_1028 = arith.constant 0 : i32
        %dma_start3A_1029 = arith.constant 0 : i32
        %dma_start3A_1030 = tpu.memref_slice %arg7[%dma_start3A_1027, %dma_start3A_1028, %dma_start3A_1029] : memref<16x50x64xf32, #tpu.memory_space<vmem>> -> memref<1x50x64xf32, #tpu.memory_space<vmem>>
        %dma_start3A_1031 = tpu.memref_squeeze %dma_start3A_1030 : memref<1x50x64xf32, #tpu.memory_space<vmem>> -> memref<50x64xf32, #tpu.memory_space<vmem>>
        %dma_start3A_1032 = arith.constant 0 : i32
        %dma_start3A_1033 = tpu.memref_slice %arg5[%dma_start3A_1026, %dma_start3A_1032] : memref<16x50xi32, #tpu.memory_space<vmem>> -> memref<1x50xi32, #tpu.memory_space<vmem>>
        %dma_start3A_1034 = tpu.memref_squeeze %dma_start3A_1033 : memref<1x50xi32, #tpu.memory_space<vmem>> -> memref<50xi32, #tpu.memory_space<vmem>>
        %dma_start3A_1035 = arith.constant 0 : i32
        %dma_start3A_1036 = arith.constant 0 : i32
        %dma_start3A_1037 = tpu.memref_slice %arg3[%dma_start3A_1035, %dma_start3A_1036] : memref<1000000x64xf32, #tpu.memory_space<hbm>> -> memref<1000000x64xf32, #tpu.memory_space<hbm>>
        tpu.enqueue_indirect_dma source(%dma_start3A_1037 : memref<1000000x64xf32, #tpu.memory_space<hbm>>) target(%dma_start3A_1031 : memref<50x64xf32, #tpu.memory_space<vmem>>) offsets(%dma_start3A_1034 : memref<50xi32, #tpu.memory_space<vmem>>) semaphore(%arg9 : memref<!tpu.dma_semaphore, #tpu.memory_space<semaphore_mem>>)
        %dma_start3A_1038 = arith.constant 15 : i32
        %dma_start3A_1039 = arith.constant 15 : i32
        %dma_start3A_1040 = arith.constant 0 : i32
        %dma_start3A_1041 = arith.constant 0 : i32
        %dma_start3A_1042 = tpu.memref_slice %arg7[%dma_start3A_1039, %dma_start3A_1040, %dma_start3A_1041] : memref<16x50x64xf32, #tpu.memory_space<vmem>> -> memref<1x50x64xf32, #tpu.memory_space<vmem>>
        %dma_start3A_1043 = tpu.memref_squeeze %dma_start3A_1042 : memref<1x50x64xf32, #tpu.memory_space<vmem>> -> memref<50x64xf32, #tpu.memory_space<vmem>>
        %dma_start3A_1044 = arith.constant 0 : i32
        %dma_start3A_1045 = tpu.memref_slice %arg5[%dma_start3A_1038, %dma_start3A_1044] : memref<16x50xi32, #tpu.memory_space<vmem>> -> memref<1x50xi32, #tpu.memory_space<vmem>>
        %dma_start3A_1046 = tpu.memref_squeeze %dma_start3A_1045 : memref<1x50xi32, #tpu.memory_space<vmem>> -> memref<50xi32, #tpu.memory_space<vmem>>
        %dma_start3A_1047 = arith.constant 0 : i32
        %dma_start3A_1048 = arith.constant 0 : i32
        %dma_start3A_1049 = tpu.memref_slice %arg3[%dma_start3A_1047, %dma_start3A_1048] : memref<1000000x64xf32, #tpu.memory_space<hbm>> -> memref<1000000x64xf32, #tpu.memory_space<hbm>>
        tpu.enqueue_indirect_dma source(%dma_start3A_1049 : memref<1000000x64xf32, #tpu.memory_space<hbm>>) target(%dma_start3A_1043 : memref<50x64xf32, #tpu.memory_space<vmem>>) offsets(%dma_start3A_1046 : memref<50xi32, #tpu.memory_space<vmem>>) semaphore(%arg9 : memref<!tpu.dma_semaphore, #tpu.memory_space<semaphore_mem>>)
      } else {
      }
      %add3A_812 = arith.constant 0 : i32
      %add3A_813 = arith.addi %mul3A_398, %add3A_812 : i32
      %add3A_814 = arith.constant 2 : i32
      %add3A_815 = arith.addi %add3A_813, %add3A_814 : i32
      %ge3A = arith.constant 32 : i32
      %ge3A_816 = arith.cmpi sge, %add3A_815, %ge3A : i32
      %convert_element_type3A_817 = arith.extui %ge3A_816 : i1 to i32
      %cond3A_818 = arith.constant 0 : i32
      %cond3A_819 = arith.cmpi ne, %convert_element_type3A_817, %cond3A_818 : i32
      scf.if %cond3A_819 {
        %add3A_838 = arith.constant 0 : i32
        %add3A_839 = arith.addi %mul3A_398, %add3A_838 : i32
        %mul3A_840 = arith.constant 16 : i32
        %mul3A_841 = arith.muli %add3A_839, %mul3A_840 : i32
        %add3A_842 = arith.addi %mul3A_2, %mul3A_841 : i32
        %multiple_of3A_843 = tpu.assume_multiple %add3A_842, 16 : i32
        %dma_wait3A_844 = arith.constant 0 : i32
        %dma_wait3A_845 = arith.constant 0 : i32
        %dma_wait3A_846 = tpu.memref_slice %arg4[%multiple_of3A_843, %dma_wait3A_844, %dma_wait3A_845] : memref<16384x50x64xf32, #tpu.memory_space<hbm>> -> memref<16x50x64xf32, #tpu.memory_space<hbm>>
        %dma_wait3A_847 = arith.constant 0 : i32
        %dma_wait3A_848 = arith.constant 0 : i32
        %dma_wait3A_849 = tpu.memref_slice %arg4[%multiple_of3A_843, %dma_wait3A_847, %dma_wait3A_848] : memref<16384x50x64xf32, #tpu.memory_space<hbm>> -> memref<16x50x64xf32, #tpu.memory_space<hbm>>
        tpu.wait_dma2 semaphore(%arg11 : memref<!tpu.dma_semaphore, #tpu.memory_space<semaphore_mem>>) src(%arg7 : memref<16x50x64xf32, #tpu.memory_space<vmem>>) dst(%dma_wait3A_849 : memref<16x50x64xf32, #tpu.memory_space<hbm>>)
      } else {
      }
      %add3A_820 = arith.constant 1 : i32
      %add3A_821 = arith.addi %mul3A_398, %add3A_820 : i32
      %add3A_822 = arith.constant 2 : i32
      %add3A_823 = arith.addi %add3A_821, %add3A_822 : i32
      %lt3A_824 = arith.constant 32 : i32
      %lt3A_825 = arith.cmpi slt, %add3A_823, %lt3A_824 : i32
      %convert_element_type3A_826 = arith.extui %lt3A_825 : i1 to i32
      %cond3A_827 = arith.constant 0 : i32
      %cond3A_828 = arith.cmpi ne, %convert_element_type3A_826, %cond3A_827 : i32
      scf.if %cond3A_828 {
        %add3A_838 = arith.constant 1 : i32
        %add3A_839 = arith.addi %mul3A_398, %add3A_838 : i32
        %add3A_840 = arith.constant 2 : i32
        %add3A_841 = arith.addi %add3A_839, %add3A_840 : i32
        %mul3A_842 = arith.constant 16 : i32
        %mul3A_843 = arith.muli %add3A_841, %mul3A_842 : i32
        %add3A_844 = arith.addi %mul3A_2, %mul3A_843 : i32
        %multiple_of3A_845 = tpu.assume_multiple %add3A_844, 16 : i32
        "tpu.region"() ({
          %run_scoped3A = tpu.sem_alloc : memref<!tpu.dma_semaphore, #tpu.memory_space<semaphore_mem>>
          %dma_start3A_1050 = arith.constant 0 : i32
          %dma_start3A_1051 = tpu.memref_slice %arg2[%multiple_of3A_845, %dma_start3A_1050] : memref<16384x50xi32, #tpu.memory_space<hbm>> -> memref<16x50xi32, #tpu.memory_space<hbm>>
          %dma_start3A_1052 = arith.constant 0 : i32
          %dma_start3A_1053 = tpu.memref_slice %arg2[%multiple_of3A_845, %dma_start3A_1052] : memref<16384x50xi32, #tpu.memory_space<hbm>> -> memref<16x50xi32, #tpu.memory_space<hbm>>
          tpu.enqueue_dma source(%dma_start3A_1053 : memref<16x50xi32, #tpu.memory_space<hbm>>) target(%arg6 : memref<16x50xi32, #tpu.memory_space<vmem>>) target_semaphore(%run_scoped3A : memref<!tpu.dma_semaphore, #tpu.memory_space<semaphore_mem>>)
          %dma_wait3A_1054 = arith.constant 0 : i32
          %dma_wait3A_1055 = tpu.memref_slice %arg2[%multiple_of3A_845, %dma_wait3A_1054] : memref<16384x50xi32, #tpu.memory_space<hbm>> -> memref<16x50xi32, #tpu.memory_space<hbm>>
          %dma_wait3A_1056 = arith.constant 0 : i32
          %dma_wait3A_1057 = tpu.memref_slice %arg2[%multiple_of3A_845, %dma_wait3A_1056] : memref<16384x50xi32, #tpu.memory_space<hbm>> -> memref<16x50xi32, #tpu.memory_space<hbm>>
          tpu.wait_dma2 semaphore(%run_scoped3A : memref<!tpu.dma_semaphore, #tpu.memory_space<semaphore_mem>>) src(%dma_wait3A_1057 : memref<16x50xi32, #tpu.memory_space<hbm>>) dst(%arg6 : memref<16x50xi32, #tpu.memory_space<vmem>>)
          tpu.yield
        }) : () -> ()
        %add3A_846 = arith.constant 1 : i32
        %add3A_847 = arith.addi %mul3A_398, %add3A_846 : i32
        %mul3A_848 = arith.constant 16 : i32
        %mul3A_849 = arith.muli %add3A_847, %mul3A_848 : i32
        %add3A_850 = arith.addi %mul3A_2, %mul3A_849 : i32
        %multiple_of3A_851 = tpu.assume_multiple %add3A_850, 16 : i32
        %dma_wait3A_852 = arith.constant 0 : i32
        %dma_wait3A_853 = arith.constant 0 : i32
        %dma_wait3A_854 = tpu.memref_slice %arg4[%multiple_of3A_851, %dma_wait3A_852, %dma_wait3A_853] : memref<16384x50x64xf32, #tpu.memory_space<hbm>> -> memref<16x50x64xf32, #tpu.memory_space<hbm>>
        %dma_wait3A_855 = arith.constant 0 : i32
        %dma_wait3A_856 = arith.constant 0 : i32
        %dma_wait3A_857 = tpu.memref_slice %arg4[%multiple_of3A_851, %dma_wait3A_855, %dma_wait3A_856] : memref<16384x50x64xf32, #tpu.memory_space<hbm>> -> memref<16x50x64xf32, #tpu.memory_space<hbm>>
        tpu.wait_dma2 semaphore(%arg12 : memref<!tpu.dma_semaphore, #tpu.memory_space<semaphore_mem>>) src(%arg8 : memref<16x50x64xf32, #tpu.memory_space<vmem>>) dst(%dma_wait3A_857 : memref<16x50x64xf32, #tpu.memory_space<hbm>>)
        %dma_start3A_858 = arith.constant 0 : i32
        %dma_start3A_859 = arith.constant 0 : i32
        %dma_start3A_860 = arith.constant 0 : i32
        %dma_start3A_861 = arith.constant 0 : i32
        %dma_start3A_862 = tpu.memref_slice %arg8[%dma_start3A_859, %dma_start3A_860, %dma_start3A_861] : memref<16x50x64xf32, #tpu.memory_space<vmem>> -> memref<1x50x64xf32, #tpu.memory_space<vmem>>
        %dma_start3A_863 = tpu.memref_squeeze %dma_start3A_862 : memref<1x50x64xf32, #tpu.memory_space<vmem>> -> memref<50x64xf32, #tpu.memory_space<vmem>>
        %dma_start3A_864 = arith.constant 0 : i32
        %dma_start3A_865 = tpu.memref_slice %arg6[%dma_start3A_858, %dma_start3A_864] : memref<16x50xi32, #tpu.memory_space<vmem>> -> memref<1x50xi32, #tpu.memory_space<vmem>>
        %dma_start3A_866 = tpu.memref_squeeze %dma_start3A_865 : memref<1x50xi32, #tpu.memory_space<vmem>> -> memref<50xi32, #tpu.memory_space<vmem>>
        %dma_start3A_867 = arith.constant 0 : i32
        %dma_start3A_868 = arith.constant 0 : i32
        %dma_start3A_869 = tpu.memref_slice %arg3[%dma_start3A_867, %dma_start3A_868] : memref<1000000x64xf32, #tpu.memory_space<hbm>> -> memref<1000000x64xf32, #tpu.memory_space<hbm>>
        tpu.enqueue_indirect_dma source(%dma_start3A_869 : memref<1000000x64xf32, #tpu.memory_space<hbm>>) target(%dma_start3A_863 : memref<50x64xf32, #tpu.memory_space<vmem>>) offsets(%dma_start3A_866 : memref<50xi32, #tpu.memory_space<vmem>>) semaphore(%arg10 : memref<!tpu.dma_semaphore, #tpu.memory_space<semaphore_mem>>)
        %dma_start3A_870 = arith.constant 1 : i32
        %dma_start3A_871 = arith.constant 1 : i32
        %dma_start3A_872 = arith.constant 0 : i32
        %dma_start3A_873 = arith.constant 0 : i32
        %dma_start3A_874 = tpu.memref_slice %arg8[%dma_start3A_871, %dma_start3A_872, %dma_start3A_873] : memref<16x50x64xf32, #tpu.memory_space<vmem>> -> memref<1x50x64xf32, #tpu.memory_space<vmem>>
        %dma_start3A_875 = tpu.memref_squeeze %dma_start3A_874 : memref<1x50x64xf32, #tpu.memory_space<vmem>> -> memref<50x64xf32, #tpu.memory_space<vmem>>
        %dma_start3A_876 = arith.constant 0 : i32
        %dma_start3A_877 = tpu.memref_slice %arg6[%dma_start3A_870, %dma_start3A_876] : memref<16x50xi32, #tpu.memory_space<vmem>> -> memref<1x50xi32, #tpu.memory_space<vmem>>
        %dma_start3A_878 = tpu.memref_squeeze %dma_start3A_877 : memref<1x50xi32, #tpu.memory_space<vmem>> -> memref<50xi32, #tpu.memory_space<vmem>>
        %dma_start3A_879 = arith.constant 0 : i32
        %dma_start3A_880 = arith.constant 0 : i32
        %dma_start3A_881 = tpu.memref_slice %arg3[%dma_start3A_879, %dma_start3A_880] : memref<1000000x64xf32, #tpu.memory_space<hbm>> -> memref<1000000x64xf32, #tpu.memory_space<hbm>>
        tpu.enqueue_indirect_dma source(%dma_start3A_881 : memref<1000000x64xf32, #tpu.memory_space<hbm>>) target(%dma_start3A_875 : memref<50x64xf32, #tpu.memory_space<vmem>>) offsets(%dma_start3A_878 : memref<50xi32, #tpu.memory_space<vmem>>) semaphore(%arg10 : memref<!tpu.dma_semaphore, #tpu.memory_space<semaphore_mem>>)
        %dma_start3A_882 = arith.constant 2 : i32
        %dma_start3A_883 = arith.constant 2 : i32
        %dma_start3A_884 = arith.constant 0 : i32
        %dma_start3A_885 = arith.constant 0 : i32
        %dma_start3A_886 = tpu.memref_slice %arg8[%dma_start3A_883, %dma_start3A_884, %dma_start3A_885] : memref<16x50x64xf32, #tpu.memory_space<vmem>> -> memref<1x50x64xf32, #tpu.memory_space<vmem>>
        %dma_start3A_887 = tpu.memref_squeeze %dma_start3A_886 : memref<1x50x64xf32, #tpu.memory_space<vmem>> -> memref<50x64xf32, #tpu.memory_space<vmem>>
        %dma_start3A_888 = arith.constant 0 : i32
        %dma_start3A_889 = tpu.memref_slice %arg6[%dma_start3A_882, %dma_start3A_888] : memref<16x50xi32, #tpu.memory_space<vmem>> -> memref<1x50xi32, #tpu.memory_space<vmem>>
        %dma_start3A_890 = tpu.memref_squeeze %dma_start3A_889 : memref<1x50xi32, #tpu.memory_space<vmem>> -> memref<50xi32, #tpu.memory_space<vmem>>
        %dma_start3A_891 = arith.constant 0 : i32
        %dma_start3A_892 = arith.constant 0 : i32
        %dma_start3A_893 = tpu.memref_slice %arg3[%dma_start3A_891, %dma_start3A_892] : memref<1000000x64xf32, #tpu.memory_space<hbm>> -> memref<1000000x64xf32, #tpu.memory_space<hbm>>
        tpu.enqueue_indirect_dma source(%dma_start3A_893 : memref<1000000x64xf32, #tpu.memory_space<hbm>>) target(%dma_start3A_887 : memref<50x64xf32, #tpu.memory_space<vmem>>) offsets(%dma_start3A_890 : memref<50xi32, #tpu.memory_space<vmem>>) semaphore(%arg10 : memref<!tpu.dma_semaphore, #tpu.memory_space<semaphore_mem>>)
        %dma_start3A_894 = arith.constant 3 : i32
        %dma_start3A_895 = arith.constant 3 : i32
        %dma_start3A_896 = arith.constant 0 : i32
        %dma_start3A_897 = arith.constant 0 : i32
        %dma_start3A_898 = tpu.memref_slice %arg8[%dma_start3A_895, %dma_start3A_896, %dma_start3A_897] : memref<16x50x64xf32, #tpu.memory_space<vmem>> -> memref<1x50x64xf32, #tpu.memory_space<vmem>>
        %dma_start3A_899 = tpu.memref_squeeze %dma_start3A_898 : memref<1x50x64xf32, #tpu.memory_space<vmem>> -> memref<50x64xf32, #tpu.memory_space<vmem>>
        %dma_start3A_900 = arith.constant 0 : i32
        %dma_start3A_901 = tpu.memref_slice %arg6[%dma_start3A_894, %dma_start3A_900] : memref<16x50xi32, #tpu.memory_space<vmem>> -> memref<1x50xi32, #tpu.memory_space<vmem>>
        %dma_start3A_902 = tpu.memref_squeeze %dma_start3A_901 : memref<1x50xi32, #tpu.memory_space<vmem>> -> memref<50xi32, #tpu.memory_space<vmem>>
        %dma_start3A_903 = arith.constant 0 : i32
        %dma_start3A_904 = arith.constant 0 : i32
        %dma_start3A_905 = tpu.memref_slice %arg3[%dma_start3A_903, %dma_start3A_904] : memref<1000000x64xf32, #tpu.memory_space<hbm>> -> memref<1000000x64xf32, #tpu.memory_space<hbm>>
        tpu.enqueue_indirect_dma source(%dma_start3A_905 : memref<1000000x64xf32, #tpu.memory_space<hbm>>) target(%dma_start3A_899 : memref<50x64xf32, #tpu.memory_space<vmem>>) offsets(%dma_start3A_902 : memref<50xi32, #tpu.memory_space<vmem>>) semaphore(%arg10 : memref<!tpu.dma_semaphore, #tpu.memory_space<semaphore_mem>>)
        %dma_start3A_906 = arith.constant 4 : i32
        %dma_start3A_907 = arith.constant 4 : i32
        %dma_start3A_908 = arith.constant 0 : i32
        %dma_start3A_909 = arith.constant 0 : i32
        %dma_start3A_910 = tpu.memref_slice %arg8[%dma_start3A_907, %dma_start3A_908, %dma_start3A_909] : memref<16x50x64xf32, #tpu.memory_space<vmem>> -> memref<1x50x64xf32, #tpu.memory_space<vmem>>
        %dma_start3A_911 = tpu.memref_squeeze %dma_start3A_910 : memref<1x50x64xf32, #tpu.memory_space<vmem>> -> memref<50x64xf32, #tpu.memory_space<vmem>>
        %dma_start3A_912 = arith.constant 0 : i32
        %dma_start3A_913 = tpu.memref_slice %arg6[%dma_start3A_906, %dma_start3A_912] : memref<16x50xi32, #tpu.memory_space<vmem>> -> memref<1x50xi32, #tpu.memory_space<vmem>>
        %dma_start3A_914 = tpu.memref_squeeze %dma_start3A_913 : memref<1x50xi32, #tpu.memory_space<vmem>> -> memref<50xi32, #tpu.memory_space<vmem>>
        %dma_start3A_915 = arith.constant 0 : i32
        %dma_start3A_916 = arith.constant 0 : i32
        %dma_start3A_917 = tpu.memref_slice %arg3[%dma_start3A_915, %dma_start3A_916] : memref<1000000x64xf32, #tpu.memory_space<hbm>> -> memref<1000000x64xf32, #tpu.memory_space<hbm>>
        tpu.enqueue_indirect_dma source(%dma_start3A_917 : memref<1000000x64xf32, #tpu.memory_space<hbm>>) target(%dma_start3A_911 : memref<50x64xf32, #tpu.memory_space<vmem>>) offsets(%dma_start3A_914 : memref<50xi32, #tpu.memory_space<vmem>>) semaphore(%arg10 : memref<!tpu.dma_semaphore, #tpu.memory_space<semaphore_mem>>)
        %dma_start3A_918 = arith.constant 5 : i32
        %dma_start3A_919 = arith.constant 5 : i32
        %dma_start3A_920 = arith.constant 0 : i32
        %dma_start3A_921 = arith.constant 0 : i32
        %dma_start3A_922 = tpu.memref_slice %arg8[%dma_start3A_919, %dma_start3A_920, %dma_start3A_921] : memref<16x50x64xf32, #tpu.memory_space<vmem>> -> memref<1x50x64xf32, #tpu.memory_space<vmem>>
        %dma_start3A_923 = tpu.memref_squeeze %dma_start3A_922 : memref<1x50x64xf32, #tpu.memory_space<vmem>> -> memref<50x64xf32, #tpu.memory_space<vmem>>
        %dma_start3A_924 = arith.constant 0 : i32
        %dma_start3A_925 = tpu.memref_slice %arg6[%dma_start3A_918, %dma_start3A_924] : memref<16x50xi32, #tpu.memory_space<vmem>> -> memref<1x50xi32, #tpu.memory_space<vmem>>
        %dma_start3A_926 = tpu.memref_squeeze %dma_start3A_925 : memref<1x50xi32, #tpu.memory_space<vmem>> -> memref<50xi32, #tpu.memory_space<vmem>>
        %dma_start3A_927 = arith.constant 0 : i32
        %dma_start3A_928 = arith.constant 0 : i32
        %dma_start3A_929 = tpu.memref_slice %arg3[%dma_start3A_927, %dma_start3A_928] : memref<1000000x64xf32, #tpu.memory_space<hbm>> -> memref<1000000x64xf32, #tpu.memory_space<hbm>>
        tpu.enqueue_indirect_dma source(%dma_start3A_929 : memref<1000000x64xf32, #tpu.memory_space<hbm>>) target(%dma_start3A_923 : memref<50x64xf32, #tpu.memory_space<vmem>>) offsets(%dma_start3A_926 : memref<50xi32, #tpu.memory_space<vmem>>) semaphore(%arg10 : memref<!tpu.dma_semaphore, #tpu.memory_space<semaphore_mem>>)
        %dma_start3A_930 = arith.constant 6 : i32
        %dma_start3A_931 = arith.constant 6 : i32
        %dma_start3A_932 = arith.constant 0 : i32
        %dma_start3A_933 = arith.constant 0 : i32
        %dma_start3A_934 = tpu.memref_slice %arg8[%dma_start3A_931, %dma_start3A_932, %dma_start3A_933] : memref<16x50x64xf32, #tpu.memory_space<vmem>> -> memref<1x50x64xf32, #tpu.memory_space<vmem>>
        %dma_start3A_935 = tpu.memref_squeeze %dma_start3A_934 : memref<1x50x64xf32, #tpu.memory_space<vmem>> -> memref<50x64xf32, #tpu.memory_space<vmem>>
        %dma_start3A_936 = arith.constant 0 : i32
        %dma_start3A_937 = tpu.memref_slice %arg6[%dma_start3A_930, %dma_start3A_936] : memref<16x50xi32, #tpu.memory_space<vmem>> -> memref<1x50xi32, #tpu.memory_space<vmem>>
        %dma_start3A_938 = tpu.memref_squeeze %dma_start3A_937 : memref<1x50xi32, #tpu.memory_space<vmem>> -> memref<50xi32, #tpu.memory_space<vmem>>
        %dma_start3A_939 = arith.constant 0 : i32
        %dma_start3A_940 = arith.constant 0 : i32
        %dma_start3A_941 = tpu.memref_slice %arg3[%dma_start3A_939, %dma_start3A_940] : memref<1000000x64xf32, #tpu.memory_space<hbm>> -> memref<1000000x64xf32, #tpu.memory_space<hbm>>
        tpu.enqueue_indirect_dma source(%dma_start3A_941 : memref<1000000x64xf32, #tpu.memory_space<hbm>>) target(%dma_start3A_935 : memref<50x64xf32, #tpu.memory_space<vmem>>) offsets(%dma_start3A_938 : memref<50xi32, #tpu.memory_space<vmem>>) semaphore(%arg10 : memref<!tpu.dma_semaphore, #tpu.memory_space<semaphore_mem>>)
        %dma_start3A_942 = arith.constant 7 : i32
        %dma_start3A_943 = arith.constant 7 : i32
        %dma_start3A_944 = arith.constant 0 : i32
        %dma_start3A_945 = arith.constant 0 : i32
        %dma_start3A_946 = tpu.memref_slice %arg8[%dma_start3A_943, %dma_start3A_944, %dma_start3A_945] : memref<16x50x64xf32, #tpu.memory_space<vmem>> -> memref<1x50x64xf32, #tpu.memory_space<vmem>>
        %dma_start3A_947 = tpu.memref_squeeze %dma_start3A_946 : memref<1x50x64xf32, #tpu.memory_space<vmem>> -> memref<50x64xf32, #tpu.memory_space<vmem>>
        %dma_start3A_948 = arith.constant 0 : i32
        %dma_start3A_949 = tpu.memref_slice %arg6[%dma_start3A_942, %dma_start3A_948] : memref<16x50xi32, #tpu.memory_space<vmem>> -> memref<1x50xi32, #tpu.memory_space<vmem>>
        %dma_start3A_950 = tpu.memref_squeeze %dma_start3A_949 : memref<1x50xi32, #tpu.memory_space<vmem>> -> memref<50xi32, #tpu.memory_space<vmem>>
        %dma_start3A_951 = arith.constant 0 : i32
        %dma_start3A_952 = arith.constant 0 : i32
        %dma_start3A_953 = tpu.memref_slice %arg3[%dma_start3A_951, %dma_start3A_952] : memref<1000000x64xf32, #tpu.memory_space<hbm>> -> memref<1000000x64xf32, #tpu.memory_space<hbm>>
        tpu.enqueue_indirect_dma source(%dma_start3A_953 : memref<1000000x64xf32, #tpu.memory_space<hbm>>) target(%dma_start3A_947 : memref<50x64xf32, #tpu.memory_space<vmem>>) offsets(%dma_start3A_950 : memref<50xi32, #tpu.memory_space<vmem>>) semaphore(%arg10 : memref<!tpu.dma_semaphore, #tpu.memory_space<semaphore_mem>>)
        %dma_start3A_954 = arith.constant 8 : i32
        %dma_start3A_955 = arith.constant 8 : i32
        %dma_start3A_956 = arith.constant 0 : i32
        %dma_start3A_957 = arith.constant 0 : i32
        %dma_start3A_958 = tpu.memref_slice %arg8[%dma_start3A_955, %dma_start3A_956, %dma_start3A_957] : memref<16x50x64xf32, #tpu.memory_space<vmem>> -> memref<1x50x64xf32, #tpu.memory_space<vmem>>
        %dma_start3A_959 = tpu.memref_squeeze %dma_start3A_958 : memref<1x50x64xf32, #tpu.memory_space<vmem>> -> memref<50x64xf32, #tpu.memory_space<vmem>>
        %dma_start3A_960 = arith.constant 0 : i32
        %dma_start3A_961 = tpu.memref_slice %arg6[%dma_start3A_954, %dma_start3A_960] : memref<16x50xi32, #tpu.memory_space<vmem>> -> memref<1x50xi32, #tpu.memory_space<vmem>>
        %dma_start3A_962 = tpu.memref_squeeze %dma_start3A_961 : memref<1x50xi32, #tpu.memory_space<vmem>> -> memref<50xi32, #tpu.memory_space<vmem>>
        %dma_start3A_963 = arith.constant 0 : i32
        %dma_start3A_964 = arith.constant 0 : i32
        %dma_start3A_965 = tpu.memref_slice %arg3[%dma_start3A_963, %dma_start3A_964] : memref<1000000x64xf32, #tpu.memory_space<hbm>> -> memref<1000000x64xf32, #tpu.memory_space<hbm>>
        tpu.enqueue_indirect_dma source(%dma_start3A_965 : memref<1000000x64xf32, #tpu.memory_space<hbm>>) target(%dma_start3A_959 : memref<50x64xf32, #tpu.memory_space<vmem>>) offsets(%dma_start3A_962 : memref<50xi32, #tpu.memory_space<vmem>>) semaphore(%arg10 : memref<!tpu.dma_semaphore, #tpu.memory_space<semaphore_mem>>)
        %dma_start3A_966 = arith.constant 9 : i32
        %dma_start3A_967 = arith.constant 9 : i32
        %dma_start3A_968 = arith.constant 0 : i32
        %dma_start3A_969 = arith.constant 0 : i32
        %dma_start3A_970 = tpu.memref_slice %arg8[%dma_start3A_967, %dma_start3A_968, %dma_start3A_969] : memref<16x50x64xf32, #tpu.memory_space<vmem>> -> memref<1x50x64xf32, #tpu.memory_space<vmem>>
        %dma_start3A_971 = tpu.memref_squeeze %dma_start3A_970 : memref<1x50x64xf32, #tpu.memory_space<vmem>> -> memref<50x64xf32, #tpu.memory_space<vmem>>
        %dma_start3A_972 = arith.constant 0 : i32
        %dma_start3A_973 = tpu.memref_slice %arg6[%dma_start3A_966, %dma_start3A_972] : memref<16x50xi32, #tpu.memory_space<vmem>> -> memref<1x50xi32, #tpu.memory_space<vmem>>
        %dma_start3A_974 = tpu.memref_squeeze %dma_start3A_973 : memref<1x50xi32, #tpu.memory_space<vmem>> -> memref<50xi32, #tpu.memory_space<vmem>>
        %dma_start3A_975 = arith.constant 0 : i32
        %dma_start3A_976 = arith.constant 0 : i32
        %dma_start3A_977 = tpu.memref_slice %arg3[%dma_start3A_975, %dma_start3A_976] : memref<1000000x64xf32, #tpu.memory_space<hbm>> -> memref<1000000x64xf32, #tpu.memory_space<hbm>>
        tpu.enqueue_indirect_dma source(%dma_start3A_977 : memref<1000000x64xf32, #tpu.memory_space<hbm>>) target(%dma_start3A_971 : memref<50x64xf32, #tpu.memory_space<vmem>>) offsets(%dma_start3A_974 : memref<50xi32, #tpu.memory_space<vmem>>) semaphore(%arg10 : memref<!tpu.dma_semaphore, #tpu.memory_space<semaphore_mem>>)
        %dma_start3A_978 = arith.constant 10 : i32
        %dma_start3A_979 = arith.constant 10 : i32
        %dma_start3A_980 = arith.constant 0 : i32
        %dma_start3A_981 = arith.constant 0 : i32
        %dma_start3A_982 = tpu.memref_slice %arg8[%dma_start3A_979, %dma_start3A_980, %dma_start3A_981] : memref<16x50x64xf32, #tpu.memory_space<vmem>> -> memref<1x50x64xf32, #tpu.memory_space<vmem>>
        %dma_start3A_983 = tpu.memref_squeeze %dma_start3A_982 : memref<1x50x64xf32, #tpu.memory_space<vmem>> -> memref<50x64xf32, #tpu.memory_space<vmem>>
        %dma_start3A_984 = arith.constant 0 : i32
        %dma_start3A_985 = tpu.memref_slice %arg6[%dma_start3A_978, %dma_start3A_984] : memref<16x50xi32, #tpu.memory_space<vmem>> -> memref<1x50xi32, #tpu.memory_space<vmem>>
        %dma_start3A_986 = tpu.memref_squeeze %dma_start3A_985 : memref<1x50xi32, #tpu.memory_space<vmem>> -> memref<50xi32, #tpu.memory_space<vmem>>
        %dma_start3A_987 = arith.constant 0 : i32
        %dma_start3A_988 = arith.constant 0 : i32
        %dma_start3A_989 = tpu.memref_slice %arg3[%dma_start3A_987, %dma_start3A_988] : memref<1000000x64xf32, #tpu.memory_space<hbm>> -> memref<1000000x64xf32, #tpu.memory_space<hbm>>
        tpu.enqueue_indirect_dma source(%dma_start3A_989 : memref<1000000x64xf32, #tpu.memory_space<hbm>>) target(%dma_start3A_983 : memref<50x64xf32, #tpu.memory_space<vmem>>) offsets(%dma_start3A_986 : memref<50xi32, #tpu.memory_space<vmem>>) semaphore(%arg10 : memref<!tpu.dma_semaphore, #tpu.memory_space<semaphore_mem>>)
        %dma_start3A_990 = arith.constant 11 : i32
        %dma_start3A_991 = arith.constant 11 : i32
        %dma_start3A_992 = arith.constant 0 : i32
        %dma_start3A_993 = arith.constant 0 : i32
        %dma_start3A_994 = tpu.memref_slice %arg8[%dma_start3A_991, %dma_start3A_992, %dma_start3A_993] : memref<16x50x64xf32, #tpu.memory_space<vmem>> -> memref<1x50x64xf32, #tpu.memory_space<vmem>>
        %dma_start3A_995 = tpu.memref_squeeze %dma_start3A_994 : memref<1x50x64xf32, #tpu.memory_space<vmem>> -> memref<50x64xf32, #tpu.memory_space<vmem>>
        %dma_start3A_996 = arith.constant 0 : i32
        %dma_start3A_997 = tpu.memref_slice %arg6[%dma_start3A_990, %dma_start3A_996] : memref<16x50xi32, #tpu.memory_space<vmem>> -> memref<1x50xi32, #tpu.memory_space<vmem>>
        %dma_start3A_998 = tpu.memref_squeeze %dma_start3A_997 : memref<1x50xi32, #tpu.memory_space<vmem>> -> memref<50xi32, #tpu.memory_space<vmem>>
        %dma_start3A_999 = arith.constant 0 : i32
        %dma_start3A_1000 = arith.constant 0 : i32
        %dma_start3A_1001 = tpu.memref_slice %arg3[%dma_start3A_999, %dma_start3A_1000] : memref<1000000x64xf32, #tpu.memory_space<hbm>> -> memref<1000000x64xf32, #tpu.memory_space<hbm>>
        tpu.enqueue_indirect_dma source(%dma_start3A_1001 : memref<1000000x64xf32, #tpu.memory_space<hbm>>) target(%dma_start3A_995 : memref<50x64xf32, #tpu.memory_space<vmem>>) offsets(%dma_start3A_998 : memref<50xi32, #tpu.memory_space<vmem>>) semaphore(%arg10 : memref<!tpu.dma_semaphore, #tpu.memory_space<semaphore_mem>>)
        %dma_start3A_1002 = arith.constant 12 : i32
        %dma_start3A_1003 = arith.constant 12 : i32
        %dma_start3A_1004 = arith.constant 0 : i32
        %dma_start3A_1005 = arith.constant 0 : i32
        %dma_start3A_1006 = tpu.memref_slice %arg8[%dma_start3A_1003, %dma_start3A_1004, %dma_start3A_1005] : memref<16x50x64xf32, #tpu.memory_space<vmem>> -> memref<1x50x64xf32, #tpu.memory_space<vmem>>
        %dma_start3A_1007 = tpu.memref_squeeze %dma_start3A_1006 : memref<1x50x64xf32, #tpu.memory_space<vmem>> -> memref<50x64xf32, #tpu.memory_space<vmem>>
        %dma_start3A_1008 = arith.constant 0 : i32
        %dma_start3A_1009 = tpu.memref_slice %arg6[%dma_start3A_1002, %dma_start3A_1008] : memref<16x50xi32, #tpu.memory_space<vmem>> -> memref<1x50xi32, #tpu.memory_space<vmem>>
        %dma_start3A_1010 = tpu.memref_squeeze %dma_start3A_1009 : memref<1x50xi32, #tpu.memory_space<vmem>> -> memref<50xi32, #tpu.memory_space<vmem>>
        %dma_start3A_1011 = arith.constant 0 : i32
        %dma_start3A_1012 = arith.constant 0 : i32
        %dma_start3A_1013 = tpu.memref_slice %arg3[%dma_start3A_1011, %dma_start3A_1012] : memref<1000000x64xf32, #tpu.memory_space<hbm>> -> memref<1000000x64xf32, #tpu.memory_space<hbm>>
        tpu.enqueue_indirect_dma source(%dma_start3A_1013 : memref<1000000x64xf32, #tpu.memory_space<hbm>>) target(%dma_start3A_1007 : memref<50x64xf32, #tpu.memory_space<vmem>>) offsets(%dma_start3A_1010 : memref<50xi32, #tpu.memory_space<vmem>>) semaphore(%arg10 : memref<!tpu.dma_semaphore, #tpu.memory_space<semaphore_mem>>)
        %dma_start3A_1014 = arith.constant 13 : i32
        %dma_start3A_1015 = arith.constant 13 : i32
        %dma_start3A_1016 = arith.constant 0 : i32
        %dma_start3A_1017 = arith.constant 0 : i32
        %dma_start3A_1018 = tpu.memref_slice %arg8[%dma_start3A_1015, %dma_start3A_1016, %dma_start3A_1017] : memref<16x50x64xf32, #tpu.memory_space<vmem>> -> memref<1x50x64xf32, #tpu.memory_space<vmem>>
        %dma_start3A_1019 = tpu.memref_squeeze %dma_start3A_1018 : memref<1x50x64xf32, #tpu.memory_space<vmem>> -> memref<50x64xf32, #tpu.memory_space<vmem>>
        %dma_start3A_1020 = arith.constant 0 : i32
        %dma_start3A_1021 = tpu.memref_slice %arg6[%dma_start3A_1014, %dma_start3A_1020] : memref<16x50xi32, #tpu.memory_space<vmem>> -> memref<1x50xi32, #tpu.memory_space<vmem>>
        %dma_start3A_1022 = tpu.memref_squeeze %dma_start3A_1021 : memref<1x50xi32, #tpu.memory_space<vmem>> -> memref<50xi32, #tpu.memory_space<vmem>>
        %dma_start3A_1023 = arith.constant 0 : i32
        %dma_start3A_1024 = arith.constant 0 : i32
        %dma_start3A_1025 = tpu.memref_slice %arg3[%dma_start3A_1023, %dma_start3A_1024] : memref<1000000x64xf32, #tpu.memory_space<hbm>> -> memref<1000000x64xf32, #tpu.memory_space<hbm>>
        tpu.enqueue_indirect_dma source(%dma_start3A_1025 : memref<1000000x64xf32, #tpu.memory_space<hbm>>) target(%dma_start3A_1019 : memref<50x64xf32, #tpu.memory_space<vmem>>) offsets(%dma_start3A_1022 : memref<50xi32, #tpu.memory_space<vmem>>) semaphore(%arg10 : memref<!tpu.dma_semaphore, #tpu.memory_space<semaphore_mem>>)
        %dma_start3A_1026 = arith.constant 14 : i32
        %dma_start3A_1027 = arith.constant 14 : i32
        %dma_start3A_1028 = arith.constant 0 : i32
        %dma_start3A_1029 = arith.constant 0 : i32
        %dma_start3A_1030 = tpu.memref_slice %arg8[%dma_start3A_1027, %dma_start3A_1028, %dma_start3A_1029] : memref<16x50x64xf32, #tpu.memory_space<vmem>> -> memref<1x50x64xf32, #tpu.memory_space<vmem>>
        %dma_start3A_1031 = tpu.memref_squeeze %dma_start3A_1030 : memref<1x50x64xf32, #tpu.memory_space<vmem>> -> memref<50x64xf32, #tpu.memory_space<vmem>>
        %dma_start3A_1032 = arith.constant 0 : i32
        %dma_start3A_1033 = tpu.memref_slice %arg6[%dma_start3A_1026, %dma_start3A_1032] : memref<16x50xi32, #tpu.memory_space<vmem>> -> memref<1x50xi32, #tpu.memory_space<vmem>>
        %dma_start3A_1034 = tpu.memref_squeeze %dma_start3A_1033 : memref<1x50xi32, #tpu.memory_space<vmem>> -> memref<50xi32, #tpu.memory_space<vmem>>
        %dma_start3A_1035 = arith.constant 0 : i32
        %dma_start3A_1036 = arith.constant 0 : i32
        %dma_start3A_1037 = tpu.memref_slice %arg3[%dma_start3A_1035, %dma_start3A_1036] : memref<1000000x64xf32, #tpu.memory_space<hbm>> -> memref<1000000x64xf32, #tpu.memory_space<hbm>>
        tpu.enqueue_indirect_dma source(%dma_start3A_1037 : memref<1000000x64xf32, #tpu.memory_space<hbm>>) target(%dma_start3A_1031 : memref<50x64xf32, #tpu.memory_space<vmem>>) offsets(%dma_start3A_1034 : memref<50xi32, #tpu.memory_space<vmem>>) semaphore(%arg10 : memref<!tpu.dma_semaphore, #tpu.memory_space<semaphore_mem>>)
        %dma_start3A_1038 = arith.constant 15 : i32
        %dma_start3A_1039 = arith.constant 15 : i32
        %dma_start3A_1040 = arith.constant 0 : i32
        %dma_start3A_1041 = arith.constant 0 : i32
        %dma_start3A_1042 = tpu.memref_slice %arg8[%dma_start3A_1039, %dma_start3A_1040, %dma_start3A_1041] : memref<16x50x64xf32, #tpu.memory_space<vmem>> -> memref<1x50x64xf32, #tpu.memory_space<vmem>>
        %dma_start3A_1043 = tpu.memref_squeeze %dma_start3A_1042 : memref<1x50x64xf32, #tpu.memory_space<vmem>> -> memref<50x64xf32, #tpu.memory_space<vmem>>
        %dma_start3A_1044 = arith.constant 0 : i32
        %dma_start3A_1045 = tpu.memref_slice %arg6[%dma_start3A_1038, %dma_start3A_1044] : memref<16x50xi32, #tpu.memory_space<vmem>> -> memref<1x50xi32, #tpu.memory_space<vmem>>
        %dma_start3A_1046 = tpu.memref_squeeze %dma_start3A_1045 : memref<1x50xi32, #tpu.memory_space<vmem>> -> memref<50xi32, #tpu.memory_space<vmem>>
        %dma_start3A_1047 = arith.constant 0 : i32
        %dma_start3A_1048 = arith.constant 0 : i32
        %dma_start3A_1049 = tpu.memref_slice %arg3[%dma_start3A_1047, %dma_start3A_1048] : memref<1000000x64xf32, #tpu.memory_space<hbm>> -> memref<1000000x64xf32, #tpu.memory_space<hbm>>
        tpu.enqueue_indirect_dma source(%dma_start3A_1049 : memref<1000000x64xf32, #tpu.memory_space<hbm>>) target(%dma_start3A_1043 : memref<50x64xf32, #tpu.memory_space<vmem>>) offsets(%dma_start3A_1046 : memref<50xi32, #tpu.memory_space<vmem>>) semaphore(%arg10 : memref<!tpu.dma_semaphore, #tpu.memory_space<semaphore_mem>>)
      } else {
      }
      %add3A_829 = arith.constant 1 : i32
      %add3A_830 = arith.addi %mul3A_398, %add3A_829 : i32
      %add3A_831 = arith.constant 2 : i32
      %add3A_832 = arith.addi %add3A_830, %add3A_831 : i32
      %ge3A_833 = arith.constant 32 : i32
      %ge3A_834 = arith.cmpi sge, %add3A_832, %ge3A_833 : i32
      %convert_element_type3A_835 = arith.extui %ge3A_834 : i1 to i32
      %cond3A_836 = arith.constant 0 : i32
      %cond3A_837 = arith.cmpi ne, %convert_element_type3A_835, %cond3A_836 : i32
      scf.if %cond3A_837 {
        %add3A_838 = arith.constant 1 : i32
        %add3A_839 = arith.addi %mul3A_398, %add3A_838 : i32
        %mul3A_840 = arith.constant 16 : i32
        %mul3A_841 = arith.muli %add3A_839, %mul3A_840 : i32
        %add3A_842 = arith.addi %mul3A_2, %mul3A_841 : i32
        %multiple_of3A_843 = tpu.assume_multiple %add3A_842, 16 : i32
        %dma_wait3A_844 = arith.constant 0 : i32
        %dma_wait3A_845 = arith.constant 0 : i32
        %dma_wait3A_846 = tpu.memref_slice %arg4[%multiple_of3A_843, %dma_wait3A_844, %dma_wait3A_845] : memref<16384x50x64xf32, #tpu.memory_space<hbm>> -> memref<16x50x64xf32, #tpu.memory_space<hbm>>
        %dma_wait3A_847 = arith.constant 0 : i32
        %dma_wait3A_848 = arith.constant 0 : i32
        %dma_wait3A_849 = tpu.memref_slice %arg4[%multiple_of3A_843, %dma_wait3A_847, %dma_wait3A_848] : memref<16384x50x64xf32, #tpu.memory_space<hbm>> -> memref<16x50x64xf32, #tpu.memory_space<hbm>>
        tpu.wait_dma2 semaphore(%arg12 : memref<!tpu.dma_semaphore, #tpu.memory_space<semaphore_mem>>) src(%arg8 : memref<16x50x64xf32, #tpu.memory_space<vmem>>) dst(%dma_wait3A_849 : memref<16x50x64xf32, #tpu.memory_space<hbm>>)
      } else {
      }
    }
    %scan3A_395 = arith.constant 16 : i32
    return
  }
}

</mosaic_0001>

<sc_bundles>
// kernel: _emb_lookup.3.cloned.1.call-start
scs
__scs_entry_jumppad:
0x0: {  	(pc) =	sbr.rel $0x88, $3  }
0x1: {  	(tag) =	ssettag $0x0;
	lr =	simm.s32 $0x1  }
0x2: {  	[smem:$0x3F9F] =	sst lr;
	_ =	strace $0xD0000000  }
0x3: {  	_ = 	snop  }
0x4: {  	_ = 	snop  }
0x5: {  	_ = 	snop  }
0x6: {  	_ = 	snop  }
0x7: {  	_ = 	snop  }
__scs_overlays_trampoline_lowered:
0x8: {  	[smem:$0x3FAE] =	sst s0  }
0x9: {  	[smem:$0x3FAF] =	sst s1  }
0xa: {  	[smem:$0x3FB0] =	sst s2  }
0xb: {  	[smem:$0x3FB1] =	sst s3  }
0xc: {  	[smem:$0x3FB2] =	sst s4  }
0xd: {  	[smem:$0x3FB3] =	sst s5  }
0xe: {  	[smem:$0x3FB4] =	sst s6  }
0xf: {  	[smem:$0x3FB5] =	sst s7  }
0x10: {  	[smem:$0x3FB6] =	sst s8  }
0x11: {  	[smem:$0x3FB7] =	sst s9;
	s0 =	simm.s32 @!p0 $0x0  }
0x12: {  	s1 =	sld [smem:$0x3F9D];
	s0 =	simm.s32 @p0 $0x1  }
0x13: {  	[smem:$0x3FB8] =	sst s0;
	s0 =	simm.s32 @!p1 $0x0  }
0x14: {  	s2 =	sld [smem:$0x3F9C];
	s0 =	simm.s32 @p1 $0x1  }
0x15: {  	[smem:$0x3FB9] =	sst s0;
	s0 =	simm.s32 @!p2 $0x0  }
0x16: {  	s3 =	sld [smem:$0x3FDB];
	s0 =	simm.s32 @p2 $0x1  }
0x17: {  	s4 =	simm.s32 $0x1BF5;
	[smem:$0x3FBB] =	sst s0  }
0x18: {  	s0 =	sld [smem:$0x3F9E];
	_ =	swait.ge [sflag:s4], $0x0  }
0x19: {  	s7 =	sld [smem:$0x3F9F]  }
0x1a: {  	s8 =	sadd.s32 $0xFFFFE003, lr  }
0x1b: {  	s9 =	sadd.s32 $0xFFFFFEF7, lr;
	s5 =	simm.s32 $0xFFFFFFFF;
	p2 =	slt.u32 s8, $0xFFFFF086  }
0x1c: {  	p1 =	slt.u32 s9, $0xF7A;
	s5 =	simm.s32 @!p2 $0x0  }
0x1d: {  	s5 =	simm.s32 @p1 $0x1;
	p0 =	seq.s32 s7, s2  }
0x1e: {  	s7 =	smul.u32 @!p0 $0xF7A, s2;
	p2 =	seq.s32 @!p0 s5, $0x0  }
0x1f: {  	s9 =	smul.u32 $0xF7A, s1;
	s8 =	simm.s32 @!p0 $0x1BF5;
	p2 =	por !p2, p0  }
0x20: {  	[sflag:s8] =	ssyncset.s32 @!p0 $0xFFFFF086;
	s6 =	sadd.s32 @!p0 s3, s7;
	s7 =	simm.s32 @!p0 $0x108  }
0x21: {  	s3 =	sadd.s32 s3, s9;
	s6 =	sadd.s32 @!p0 $0x88, s6;
	s7 =	simm.s32 @p2 $0x1082  }
0x22: {  	[simem:s7], [sflag:s8] =	dma.local @!p0 [hbm:s6], $0xF7A  }
0x23: {  	s9 =	sor.u32 $0xD0000000, s2;
	s6 =	simm.s32 $0x108;
	_ =	swait.ge @!p0 [sflag:s8], $0x0  }
0x24: {  	s3 =	sadd.s32 $0x88, s3;
	s6 =	simm.s32 @!p1 $0x1082;
	[sflag:s4] =	ssyncset.s32 $0xFFFFF086  }
0x25: {  	[simem:s6], [sflag:s4] =	dma.local [hbm:s3], $0xF7A  }
0x26: {  	[smem:$0x3F9F] =	sst s1;
	(tag) =	ssettag s2;
	_ =	strace s9  }
0x27: {  	s1 =	sld [smem:$0x3FAF]  }
0x28: {  	s2 =	sld [smem:$0x3FB0]  }
0x29: {  	s4 =	sld [smem:$0x3FB2]  }
0x2a: {  	p0 =	seq.s32 s5, $0x0;
	s5 =	sld [smem:$0x3FB3]  }
0x2b: {  	s6 =	sld [smem:$0x3FB4]  }
0x2c: {  	s7 =	sld [smem:$0x3FB5]  }
0x2d: {  	s3 =	simm.s32 $0x108;
	s8 =	sld [smem:$0x3FB6]  }
0x2e: {  	s3 =	simm.s32 @!p0 $0x1082;
	s9 =	sld [smem:$0x3FB7]  }
0x2f: {  	lr =	sadd.s32 s0, s3;
	s0 =	sld [smem:$0x3FAE]  }
0x30: {  	s3 =	sld [smem:$0x3FB1]  }
0x31: {  	[smem:$0x3FBA] =	sst s10  }
0x32: {  	s10 =	sld [smem:$0x3FB8];
	_ =	sdelay $0x3  }
0x33: {  	p0 =	seq.s32 s10, $0x1;
	s10 =	sld [smem:$0x3FBA];
	_ =	sdelay $0x3  }
0x34: {  	[smem:$0x3FBA] =	sst s10  }
0x35: {  	s10 =	sld [smem:$0x3FB9];
	_ =	sdelay $0x3  }
0x36: {  	p1 =	seq.s32 s10, $0x1;
	s10 =	sld [smem:$0x3FBA];
	_ =	sdelay $0x3  }
0x37: {  	[smem:$0x3FBA] =	sst s10  }
0x38: {  	s10 =	sld [smem:$0x3FBB]  }
0x39: {  	_ = 	snop;
	(pc) =	sbr.ind lr, $3  }
0x3a: {  	_ = 	snop  }
0x3b: {  	_ = 	snop  }
0x3c: {  	p2 =	seq.s32 s10, $0x1;
	s10 =	sld [smem:$0x3FBA]  }
0x3d: {  	_ =	shalt  }
0x3e: {  	_ =	shalt  }
0x3f: {  	_ =	shalt  }
0x40: {  	_ =	shalt  }
0x41: {  	_ =	shalt  }
0x42: {  	_ =	shalt  }
0x43: {  	_ =	shalt  }
0x44: {  	_ =	shalt  }
0x45: {  	_ =	shalt  }
0x46: {  	_ =	shalt  }
0x47: {  	_ =	shalt  }
0x48: {  	_ =	shalt  }
0x49: {  	_ =	shalt  }
0x4a: {  	_ =	shalt  }
0x4b: {  	_ =	shalt  }
0x4c: {  	_ =	shalt  }
0x4d: {  	_ =	shalt  }
0x4e: {  	_ =	shalt  }
0x4f: {  	_ =	shalt  }
0x50: {  	_ =	shalt  }
0x51: {  	_ =	shalt  }
0x52: {  	_ =	shalt  }
0x53: {  	_ =	shalt  }
0x54: {  	_ =	shalt  }
0x55: {  	_ =	shalt  }
0x56: {  	_ =	shalt  }
0x57: {  	_ =	shalt  }
0x58: {  	_ =	shalt  }
0x59: {  	_ =	shalt  }
0x5a: {  	_ =	shalt  }
0x5b: {  	_ =	shalt  }
0x5c: {  	_ =	shalt  }
0x5d: {  	_ =	shalt  }
0x5e: {  	_ =	shalt  }
0x5f: {  	_ =	shalt  }
0x60: {  	_ =	shalt  }
0x61: {  	_ =	shalt  }
0x62: {  	_ =	shalt  }
0x63: {  	_ =	shalt  }
0x64: {  	_ =	shalt  }
0x65: {  	_ =	shalt  }
0x66: {  	_ =	shalt  }
0x67: {  	_ =	shalt  }
0x68: {  	_ =	shalt  }
0x69: {  	_ =	shalt  }
0x6a: {  	_ =	shalt  }
0x6b: {  	_ =	shalt  }
0x6c: {  	_ =	shalt  }
0x6d: {  	_ =	shalt  }
0x6e: {  	_ =	shalt  }
0x6f: {  	_ =	shalt  }
0x70: {  	_ =	shalt  }
0x71: {  	_ =	shalt  }
0x72: {  	_ =	shalt  }
0x73: {  	_ =	shalt  }
0x74: {  	_ =	shalt  }
0x75: {  	_ =	shalt  }
0x76: {  	_ =	shalt  }
0x77: {  	_ =	shalt  }
0x78: {  	_ =	shalt  }
0x79: {  	_ =	shalt  }
0x7a: {  	_ =	shalt  }
0x7b: {  	_ =	shalt  }
0x7c: {  	_ =	shalt  }
0x7d: {  	_ =	shalt  }
0x7e: {  	_ =	shalt  }
0x7f: {  	_ =	shalt  }
0x80: {  	_ =	shalt  }
0x81: {  	_ =	shalt  }
0x82: {  	_ =	shalt  }
0x83: {  	_ =	shalt  }
0x84: {  	_ =	shalt  }
0x85: {  	_ =	shalt  }
0x86: {  	_ =	shalt  }
0x87: {  	_ =	shalt  }
.Lfunc_end0:
.L_simem_size_0:
called_computation.1_lowered:
.L_overlay_start_0:
0x88: {  	s2 =	sld [smem:$0x3FD9]  }
0x89: {  	s3 =	sld [smem:$0x3FFE];
	_ =	sdelay $0x1  }
0x8a: {  	s1 =	srdreg.scid  }
0x8b: {  	s0 =	sand.u32 $0x1, s1  }
0x8c: {  	s17 =	sshll.u32 s0, $0xA;
	s2 =	sadd.s32 s3, s2  }
0x8d: {  	s2 =	sadd.s32 s2, s17  }
0x8e: {  	[smem:$0x3FC6] =	sst s2  }
0x8f: {  	_ = 	snop  }
0x90: {  	s2 =	sld [smem:$0x3FD0];
	(tm) =	ssettm $0x1  }
0x91: {  	s18 =	sld [smem:$0x3FFB];
	_ =	sdelay $0x3  }
0x92: {  	_ =	strace s18  }
0x93: {  	s3 =	sld [smem:$0x3FFC];
	_ =	sdelay $0x3  }
0x94: {  	_ =	strace s3  }
0x95: {  	s3 =	sld [smem:$0x3FFD];
	_ =	sdelay $0x3  }
0x96: {  	_ =	strace s3  }
0x97: {  	_ =	strace $0x8FFFFFFF  }
0x98: {  	s19 =	sld [smem:$0x3FDB];
	_ =	sdelay $0x1  }
0x99: {  	s4 =	simm.s32 $_scs_section_size  }
0x9a: {  	s5 =	simm.s32 $_size__tile_overlayer_lowered;
	s6 =	simm.s32 $_tile_overlayer_lowered  }
0x9b: {  	s22 =	simm.s32 $0x1BFF;
	s21 =	sshll.u32 s6, $0x1;
	s3 =	sadd.s32 s4, s19  }
0x9c: {  	s7 =	simm.s32 $0x0;
	s20 =	sshll.u32 s5, $0x1;
	s5 =	sadd.s32 s21, s3  }
0x9d: {  	[timem:s7], [sflag:s22] =	dma.local [hbm:s5], s20  }
0x9e: {  	_ =	swait.ge [sflag:s22], s20  }
0x9f: {  	s4 =	ssub.s32 $0x0, s20;
	[sflag:s22] =	ssyncset.done $0x0  }
0xa0: {  	[sflag:s22] =	ssyncadd.s32 s4;
	_ =	sdelay $0x1  }
0xa1: {  	s23 =	simm.s32 $0x1B8B  }
0xa2: {  	_ =	swait.ge [sflag:s23], $0x1  }
0xa3: {  	[sflag:s23] =	ssyncset.done $0x0  }
0xa4: {  	s25 =	simm.s32 $0x1B8E;
	s24 =	sld [smem:$0x3FFE];
	[sflag:s23] =	ssyncadd.s32 $0xFFFFFFFF  }
0xa5: {  	s26 =	simm.s32 $execute0_lowered;
	[smem:$0x3FD2] =	sst s25  }
0xa6: {  	s5 =	sshll.u32 s26, $0x1;
	_ =	strace $0x80000046;
	[dreg:$0x1] =	wrdreg $0xFFFFFFFF  }
0xa7: {  	s28 =	simm.s32 $_size_execute0_lowered;
	s3 =	sadd.s32 s3, s5;
	[dreg:$0x0] =	wrdreg $0x0  }
0xa8: {  	s5 =	sshll.u32 s28, $0x1;
	[dreg:$0x2] =	wrdreg s3  }
0xa9: {  	[dreg:$0x3] =	wrdreg s5  }
0xaa: {  	[dreg:$0x4] =	wrdreg $0xC0  }
0xab: {  	_ =	task [dreg:s7], $0x5FFFF  }
0xac: {  	[dreg:$0x1] =	wrdreg $0xFFFFFFFF  }
0xad: {  	[dreg:$0x0] =	wrdreg $0x60  }
0xae: {  	[dreg:$0x2] =	wrdreg s24  }
0xaf: {  	[dreg:$0x3] =	wrdreg s2  }
0xb0: {  	[dreg:$0x4] =	wrdreg $0x9  }
0xb1: {  	_ =	task.clear_ibuf [dreg:s7], $0x5FFFF;
	_ =	strace $0x90000046  }
0xb2: {  	s29 =	simm.s32 $0x9;
	_ =	strace $0x80000048  }
0xb3: {  	_ =	swait.ge [sflag:s29], $0x1  }
0xb4: {  	[sflag:s29] =	ssyncadd.s32 $0xFFFFFFFF  }
0xb5: {  	_ =	strace $0x90000048  }
0xb6: {  	_ =	sfence  }
0xb7: {  	s30 =	sld [smem:$0x0];
	_ =	sdelay $0x2  }
0xb8: {  	s31 =	sshll.u32 s1, $0xD;
	s1 =	sshrl.u32 s1, $0x2  }
0xb9: {  	s3 =	sand.u32 $0x4000, s31;
	s1 =	sadd.s32 s1, s30  }
0xba: {  	s0 =	sor.u32 s3, s0;
	s1 =	sshll.u32 s1, $0x11  }
0xbb: {  	s0 =	sor.u32 s1, s0  }
0xbc: {  	s0 =	sadd.s32 $0x8F2B, s0  }
0xbd: {  	[sflag:s0] =	ssyncadd.remote.s32 $0x1  }
0xbe: {  	_ =	sfence.sel $0xFFFF  }
0xbf: {  	[dreg:$0x0] =	wrdreg $0xFFFFFFFF;
	(pc) =	sbr.abs _section_cstart, $3  }
0xc0: {  	[dreg:$0x1] =	wrdreg $0xFFFFFFFF  }
0xc1: {  	_ =	task.clear_ibuf [dreg:s7], $0x2FFFF;
	_ =	strace $0x9FFFFFFF  }
0xc2: {  	(tm) =	ssettm $0x7FFFFFFF  }
0xc3: {  	_ =	shalt  }
tec
execute0_lowered:
.L_overlay_start_1:
0x0: {  	(tag) =	ssettag $0x1  }
0x1: {  	s0 =	srdreg.scid  }
0x2: {  	s1 =	rddreg [dreg:$0x0];
	s10 =	stileid.u32  }
0x3: {  	s4 =	rddreg [dreg:$0x1];
	s2 =	simm.s32 $0x0;
	s17 =	simm.s32 $0x380  }
0x4: {  	s18 =	simm.s32 $0xCF00;
	s12 =	simm.s32 $0x5B0;
	s13 =	simm.s32 $0x14C00  }
0x5: {  	s14 =	simm.s32 $0x5E8;
	s15 =	simm.s32 $0x15880;
	s16 =	simm.s32 $0x620  }
0x6: {  	s19 =	simm.s32 $0x16500;
	s20 =	simm.s32 $0x658;
	s21 =	simm.s32 $0x17180  }
0x7: {  	s22 =	simm.s32 $0x690;
	s23 =	simm.s32 $0x17E00;
	s28 =	simm.s32 $0x2  }
0x8: {  	s29 =	simm.s32 $0x3;
	s30 =	simm.s32 $0x4;
	s0 =	sand.u32 $0x1, s0  }
0x9: {  	s3 =	sshll.u32 s10, $0xA;
	[smem:$0x7FF] =	sst s2;
	s7 =	smul.u32 $0x1C00, s10  }
0xa: {  	s6 =	sadd.s32 $0xA00, s1;
	s25 =	smul.u32 $0x64000, s10;
	s10 =	simm.s32 $0x32  }
0xb: {  	s5 =	sshll.u32 s0, $0x9;
	_ =	strace $0x80000047;
	s8 =	smul.u32 $0xE00, s0  }
0xc: {  	s24 =	ssub.s32 $0x2, s0;
	s0 =	smul.u32 $0x32000, s0;
	s3 =	sor.u32 s5, s3  }
0xd: {  	s9 =	sshrl.u32 s24, $0x1;
	s31 =	sadd.s32 s7, s6;
	s4 =	sadd.s32 s25, s4  }
0xe: {  	s25 =	simm.s32 $0x18A80;
	s5 =	smul.u32 $0x7, s3;
	s3 =	sadd.s32 $0xF42E00, s1  }
0xf: {  	s1 =	ssub.s32 s24, s9;
	s7 =	sadd.s32 s8, s31;
	s0 =	sadd.s32 s0, s4  }
.Ltmp0:
0x10: {  	s9 =	simm.s32 $0x5;
	s4 =	simm.s32 $0x578;
	(pc) =	sbr.rel .LBB2_1-.Ltmp0, $4  }
0x11: {  	s8 =	simm.s32 $0x13F80;
	s1 =	smax.u32 s1, $0x1;
	[dreg:$0x6] =	wrdreg s0  }
0x12: {  	s24 =	simm.s32 $0x6C8;
	s11 =	sadd.s32 s6, s5;
	[dreg:$0x5] =	wrdreg s1  }
0x13: {  	s1 =	simm.s32 $0x0;
	[dreg:$0x3] =	wrdreg s11;
	s26 =	sadd.s32 $0x70, s11  }
0x14: {  	s11 =	simm.s32 $0x700;
	[dreg:$0x4] =	wrdreg s26;
	s26 =	simm.s32 $0x1  }
.LBB2_4:
0x15: {  	_ =	swait.ge [sflag:s29], $0xC800  }
0x16: {  	[sflag:s29] =	ssyncset.done $0x0  }
0x17: {  	[sflag:s29] =	ssyncadd.s32 $0xFFFF3800  }
0x18: {  	_ =	swait.ge [sflag:s30], $0xC800  }
0x19: {  	s1 =	rddreg [dreg:$0x7]  }
0x1a: {  	s0 =	rddreg [dreg:$0x5];
	s1 =	sadd.s32 $0x1, s1  }
0x1b: {  	p0 =	sne.s32 s1, s0  }
.Ltmp1:
0x1c: {  	_ = 	snop;
	(pc) =	sbr.rel @!p0 .LBB2_5-.Ltmp1, $3  }
0x1d: {  	_ =	sdelay $0x1  }
0x1e: {  	[sflag:s30] =	ssyncset.done $0x0  }
0x1f: {  	[sflag:s30] =	ssyncadd.s32 $0xFFFF3800  }
.LBB2_1:
0x20: {  	[dreg:$0x7] =	wrdreg s1  }
0x21: {  	s0 =	rddreg [dreg:$0x3]  }
0x22: {  	[tilespmem:s2], [sflag:$0x5] =	stream.linear.gather [hbm4b:s0+s2], $0x380, $0x38;
	[tilespmem:$0x19700] =	vst v63  }
0x23: {  	_ =	swait.ge [sflag:s9], $0x380  }
0x24: {  	[sflag:s9] =	ssyncset.done $0x0  }
0x25: {  	[sflag:s9] =	ssyncadd.s32 $0xFFFFFC80  }
0x26: {  	[tilespmem:s11], [sflag:$0x1] =	stream.indirect.gather [hbm4b:s3+s10], $0x40, s2, s10, $0xb8;
	[tilespmem:$0x19700] =	vst v63  }
0x27: {  	s5 =	simm.s32 $0x38;
	s6 =	simm.s32 $0x1380  }
0x28: {  	[tilespmem:s6], [sflag:$0x1] =	stream.indirect.gather [hbm4b:s3+s10], $0x40, s5, s10, $0xb8;
	[tilespmem:$0x19700] =	vst v63  }
0x29: {  	s5 =	simm.s32 $0x70;
	s6 =	simm.s32 $0x2000  }
0x2a: {  	[tilespmem:s6], [sflag:$0x1] =	stream.indirect.gather [hbm4b:s3+s10], $0x40, s5, s10, $0xb8;
	[tilespmem:$0x19700] =	vst v63  }
0x2b: {  	s5 =	simm.s32 $0xA8;
	s6 =	simm.s32 $0x2C80  }
0x2c: {  	[tilespmem:s6], [sflag:$0x1] =	stream.indirect.gather [hbm4b:s3+s10], $0x40, s5, s10, $0xb8;
	[tilespmem:$0x19700] =	vst v63  }
0x2d: {  	s5 =	simm.s32 $0xE0;
	s6 =	simm.s32 $0x3900  }
0x2e: {  	[tilespmem:s6], [sflag:$0x1] =	stream.indirect.gather [hbm4b:s3+s10], $0x40, s5, s10, $0xb8;
	[tilespmem:$0x19700] =	vst v63  }
0x2f: {  	s5 =	simm.s32 $0x118;
	s6 =	simm.s32 $0x4580  }
0x30: {  	[tilespmem:s6], [sflag:$0x1] =	stream.indirect.gather [hbm4b:s3+s10], $0x40, s5, s10, $0xb8;
	[tilespmem:$0x19700] =	vst v63  }
0x31: {  	s5 =	simm.s32 $0x150;
	s6 =	simm.s32 $0x5200  }
0x32: {  	[tilespmem:s6], [sflag:$0x1] =	stream.indirect.gather [hbm4b:s3+s10], $0x40, s5, s10, $0xb8;
	[tilespmem:$0x19700] =	vst v63  }
0x33: {  	s5 =	simm.s32 $0x188;
	s6 =	simm.s32 $0x5E80  }
0x34: {  	[tilespmem:s6], [sflag:$0x1] =	stream.indirect.gather [hbm4b:s3+s10], $0x40, s5, s10, $0xb8;
	[tilespmem:$0x19700] =	vst v63  }
0x35: {  	s5 =	simm.s32 $0x1C0;
	s6 =	simm.s32 $0x6B00  }
0x36: {  	[tilespmem:s6], [sflag:$0x1] =	stream.indirect.gather [hbm4b:s3+s10], $0x40, s5, s10, $0xb8;
	[tilespmem:$0x19700] =	vst v63  }
0x37: {  	s5 =	simm.s32 $0x1F8;
	s6 =	simm.s32 $0x7780  }
0x38: {  	[tilespmem:s6], [sflag:$0x1] =	stream.indirect.gather [hbm4b:s3+s10], $0x40, s5, s10, $0xb8;
	[tilespmem:$0x19700] =	vst v63  }
0x39: {  	s5 =	simm.s32 $0x230;
	s6 =	simm.s32 $0x8400  }
0x3a: {  	[tilespmem:s6], [sflag:$0x1] =	stream.indirect.gather [hbm4b:s3+s10], $0x40, s5, s10, $0xb8;
	[tilespmem:$0x19700] =	vst v63  }
0x3b: {  	s5 =	simm.s32 $0x268;
	s6 =	simm.s32 $0x9080  }
0x3c: {  	[tilespmem:s6], [sflag:$0x1] =	stream.indirect.gather [hbm4b:s3+s10], $0x40, s5, s10, $0xb8;
	[tilespmem:$0x19700] =	vst v63  }
0x3d: {  	s5 =	simm.s32 $0x2A0;
	s6 =	simm.s32 $0x9D00  }
0x3e: {  	[tilespmem:s6], [sflag:$0x1] =	stream.indirect.gather [hbm4b:s3+s10], $0x40, s5, s10, $0xb8;
	[tilespmem:$0x19700] =	vst v63  }
0x3f: {  	s5 =	simm.s32 $0x2D8;
	s6 =	simm.s32 $0xA980  }
0x40: {  	[tilespmem:s6], [sflag:$0x1] =	stream.indirect.gather [hbm4b:s3+s10], $0x40, s5, s10, $0xb8;
	[tilespmem:$0x19700] =	vst v63  }
0x41: {  	s5 =	simm.s32 $0x310;
	s6 =	simm.s32 $0xB600  }
0x42: {  	[tilespmem:s6], [sflag:$0x1] =	stream.indirect.gather [hbm4b:s3+s10], $0x40, s5, s10, $0xb8;
	[tilespmem:$0x19700] =	vst v63  }
0x43: {  	s5 =	simm.s32 $0x348;
	s6 =	simm.s32 $0xC280  }
0x44: {  	[tilespmem:s6], [sflag:$0x1] =	stream.indirect.gather [hbm4b:s3+s10], $0x40, s5, s10, $0xb8;
	[tilespmem:$0x19700] =	vst v63  }
0x45: {  	s1 =	rddreg [dreg:$0x4]  }
0x46: {  	[tilespmem:s17], [sflag:$0x5] =	stream.linear.gather [hbm4b:s1+s2], $0x380, $0x38;
	[tilespmem:$0x19700] =	vst v63  }
0x47: {  	_ =	swait.ge [sflag:s9], $0x380  }
0x48: {  	[sflag:s9] =	ssyncset.done $0x0  }
0x49: {  	[sflag:s9] =	ssyncadd.s32 $0xFFFFFC80  }
0x4a: {  	[tilespmem:s18], [sflag:$0x2] =	stream.indirect.gather [hbm4b:s3+s10], $0x40, s17, s10, $0xb8;
	[tilespmem:$0x19700] =	vst v63  }
0x4b: {  	s5 =	simm.s32 $0x3B8;
	s6 =	simm.s32 $0xDB80  }
0x4c: {  	[tilespmem:s6], [sflag:$0x2] =	stream.indirect.gather [hbm4b:s3+s10], $0x40, s5, s10, $0xb8;
	[tilespmem:$0x19700] =	vst v63  }
0x4d: {  	s5 =	simm.s32 $0x3F0;
	s6 =	simm.s32 $0xE800  }
0x4e: {  	[tilespmem:s6], [sflag:$0x2] =	stream.indirect.gather [hbm4b:s3+s10], $0x40, s5, s10, $0xb8;
	[tilespmem:$0x19700] =	vst v63  }
0x4f: {  	s5 =	simm.s32 $0x428;
	s6 =	simm.s32 $0xF480  }
0x50: {  	[tilespmem:s6], [sflag:$0x2] =	stream.indirect.gather [hbm4b:s3+s10], $0x40, s5, s10, $0xb8;
	[tilespmem:$0x19700] =	vst v63  }
0x51: {  	s5 =	simm.s32 $0x460;
	s6 =	simm.s32 $0x10100  }
0x52: {  	[tilespmem:s6], [sflag:$0x2] =	stream.indirect.gather [hbm4b:s3+s10], $0x40, s5, s10, $0xb8;
	[tilespmem:$0x19700] =	vst v63  }
0x53: {  	s5 =	simm.s32 $0x498;
	s6 =	simm.s32 $0x10D80  }
0x54: {  	[tilespmem:s6], [sflag:$0x2] =	stream.indirect.gather [hbm4b:s3+s10], $0x40, s5, s10, $0xb8;
	[tilespmem:$0x19700] =	vst v63  }
0x55: {  	s5 =	simm.s32 $0x4D0;
	s6 =	simm.s32 $0x11A00  }
0x56: {  	[tilespmem:s6], [sflag:$0x2] =	stream.indirect.gather [hbm4b:s3+s10], $0x40, s5, s10, $0xb8;
	[tilespmem:$0x19700] =	vst v63  }
0x57: {  	s5 =	simm.s32 $0x508;
	s6 =	simm.s32 $0x12680  }
0x58: {  	[tilespmem:s6], [sflag:$0x2] =	stream.indirect.gather [hbm4b:s3+s10], $0x40, s5, s10, $0xb8;
	[tilespmem:$0x19700] =	vst v63  }
0x59: {  	s5 =	simm.s32 $0x540;
	s6 =	simm.s32 $0x13300  }
0x5a: {  	[tilespmem:s6], [sflag:$0x2] =	stream.indirect.gather [hbm4b:s3+s10], $0x40, s5, s10, $0xb8;
	[tilespmem:$0x19700] =	vst v63  }
0x5b: {  	_ = 	snop  }
0x5c: {  	[tilespmem:s8], [sflag:$0x2] =	stream.indirect.gather [hbm4b:s3+s10], $0x40, s4, s10, $0xb8;
	[tilespmem:$0x19700] =	vst v63  }
0x5d: {  	_ = 	snop  }
0x5e: {  	[tilespmem:s13], [sflag:$0x2] =	stream.indirect.gather [hbm4b:s3+s10], $0x40, s12, s10, $0xb8;
	[tilespmem:$0x19700] =	vst v63  }
0x5f: {  	_ = 	snop  }
0x60: {  	[tilespmem:s15], [sflag:$0x2] =	stream.indirect.gather [hbm4b:s3+s10], $0x40, s14, s10, $0xb8;
	[tilespmem:$0x19700] =	vst v63  }
0x61: {  	_ = 	snop  }
0x62: {  	[tilespmem:s19], [sflag:$0x2] =	stream.indirect.gather [hbm4b:s3+s10], $0x40, s16, s10, $0xb8;
	[tilespmem:$0x19700] =	vst v63  }
0x63: {  	_ = 	snop  }
0x64: {  	[tilespmem:s21], [sflag:$0x2] =	stream.indirect.gather [hbm4b:s3+s10], $0x40, s20, s10, $0xb8;
	[tilespmem:$0x19700] =	vst v63  }
0x65: {  	_ = 	snop  }
0x66: {  	[tilespmem:s23], [sflag:$0x2] =	stream.indirect.gather [hbm4b:s3+s10], $0x40, s22, s10, $0xb8;
	[tilespmem:$0x19700] =	vst v63  }
0x67: {  	s1 =	simm.s32 $0x0;
	s31 =	rddreg [dreg:$0x6]  }
0x68: {  	[tilespmem:s25], [sflag:$0x2] =	stream.indirect.gather [hbm4b:s3+s10], $0x40, s24, s10, $0xb8;
	[tilespmem:$0x19700] =	vst v63  }
.LBB2_2:
0x69: {  	_ =	swait.ge [sflag:s26], $0xC80  }
0x6a: {  	[sflag:s26] =	ssyncset.done $0x0  }
0x6b: {  	[sflag:s26] =	ssyncadd.s32 $0xFFFFF380  }
0x6c: {  	_ =	swait.ge [sflag:s26], $0xC80  }
0x6d: {  	[sflag:s26] =	ssyncset.done $0x0  }
0x6e: {  	[sflag:s26] =	ssyncadd.s32 $0xFFFFF380  }
0x6f: {  	_ =	swait.ge [sflag:s26], $0xC80  }
0x70: {  	[sflag:s26] =	ssyncset.done $0x0  }
0x71: {  	[sflag:s26] =	ssyncadd.s32 $0xFFFFF380  }
0x72: {  	_ =	swait.ge [sflag:s26], $0xC80  }
0x73: {  	[sflag:s26] =	ssyncset.done $0x0  }
0x74: {  	[sflag:s26] =	ssyncadd.s32 $0xFFFFF380  }
0x75: {  	_ =	swait.ge [sflag:s26], $0xC80  }
0x76: {  	[sflag:s26] =	ssyncset.done $0x0  }
0x77: {  	[sflag:s26] =	ssyncadd.s32 $0xFFFFF380  }
0x78: {  	_ =	swait.ge [sflag:s26], $0xC80  }
0x79: {  	[sflag:s26] =	ssyncset.done $0x0  }
0x7a: {  	[sflag:s26] =	ssyncadd.s32 $0xFFFFF380  }
0x7b: {  	_ =	swait.ge [sflag:s26], $0xC80  }
0x7c: {  	[sflag:s26] =	ssyncset.done $0x0  }
0x7d: {  	[sflag:s26] =	ssyncadd.s32 $0xFFFFF380  }
0x7e: {  	_ =	swait.ge [sflag:s26], $0xC80  }
0x7f: {  	[sflag:s26] =	ssyncset.done $0x0  }
0x80: {  	[sflag:s26] =	ssyncadd.s32 $0xFFFFF380  }
0x81: {  	_ =	swait.ge [sflag:s26], $0xC80  }
0x82: {  	[sflag:s26] =	ssyncset.done $0x0  }
0x83: {  	[sflag:s26] =	ssyncadd.s32 $0xFFFFF380  }
0x84: {  	_ =	swait.ge [sflag:s26], $0xC80  }
0x85: {  	[sflag:s26] =	ssyncset.done $0x0  }
0x86: {  	[sflag:s26] =	ssyncadd.s32 $0xFFFFF380  }
0x87: {  	_ =	swait.ge [sflag:s26], $0xC80  }
0x88: {  	[sflag:s26] =	ssyncset.done $0x0  }
0x89: {  	[sflag:s26] =	ssyncadd.s32 $0xFFFFF380  }
0x8a: {  	_ =	swait.ge [sflag:s26], $0xC80  }
0x8b: {  	[sflag:s26] =	ssyncset.done $0x0  }
0x8c: {  	[sflag:s26] =	ssyncadd.s32 $0xFFFFF380  }
0x8d: {  	_ =	swait.ge [sflag:s26], $0xC80  }
0x8e: {  	[sflag:s26] =	ssyncset.done $0x0  }
0x8f: {  	[sflag:s26] =	ssyncadd.s32 $0xFFFFF380  }
0x90: {  	_ =	swait.ge [sflag:s26], $0xC80  }
0x91: {  	[sflag:s26] =	ssyncset.done $0x0  }
0x92: {  	[sflag:s26] =	ssyncadd.s32 $0xFFFFF380  }
0x93: {  	_ =	swait.ge [sflag:s26], $0xC80  }
0x94: {  	[sflag:s26] =	ssyncset.done $0x0  }
0x95: {  	[sflag:s26] =	ssyncadd.s32 $0xFFFFF380  }
0x96: {  	_ =	swait.ge [sflag:s26], $0xC80  }
0x97: {  	[sflag:s26] =	ssyncset.done $0x0  }
0x98: {  	[sflag:s26] =	ssyncadd.s32 $0xFFFFF380  }
0x99: {  	[hbm4b:s31+s2] =	stream.linear.scatter [tilespmem:s11], [sflag:$0x3], $0xC800, $0x38;
	[tilespmem:$0x19700] =	vst v63  }
0x9a: {  	_ =	swait.ge [sflag:s28], $0xC80  }
0x9b: {  	[sflag:s28] =	ssyncset.done $0x0  }
0x9c: {  	[sflag:s28] =	ssyncadd.s32 $0xFFFFF380  }
0x9d: {  	_ =	swait.ge [sflag:s28], $0xC80  }
0x9e: {  	[sflag:s28] =	ssyncset.done $0x0  }
0x9f: {  	[sflag:s28] =	ssyncadd.s32 $0xFFFFF380  }
0xa0: {  	_ =	swait.ge [sflag:s28], $0xC80  }
0xa1: {  	[sflag:s28] =	ssyncset.done $0x0  }
0xa2: {  	[sflag:s28] =	ssyncadd.s32 $0xFFFFF380  }
0xa3: {  	_ =	swait.ge [sflag:s28], $0xC80  }
0xa4: {  	[sflag:s28] =	ssyncset.done $0x0  }
0xa5: {  	[sflag:s28] =	ssyncadd.s32 $0xFFFFF380  }
0xa6: {  	_ =	swait.ge [sflag:s28], $0xC80  }
0xa7: {  	[sflag:s28] =	ssyncset.done $0x0  }
0xa8: {  	[sflag:s28] =	ssyncadd.s32 $0xFFFFF380  }
0xa9: {  	_ =	swait.ge [sflag:s28], $0xC80  }
0xaa: {  	[sflag:s28] =	ssyncset.done $0x0  }
0xab: {  	[sflag:s28] =	ssyncadd.s32 $0xFFFFF380  }
0xac: {  	_ =	swait.ge [sflag:s28], $0xC80  }
0xad: {  	[sflag:s28] =	ssyncset.done $0x0  }
0xae: {  	[sflag:s28] =	ssyncadd.s32 $0xFFFFF380  }
0xaf: {  	_ =	swait.ge [sflag:s28], $0xC80  }
0xb0: {  	[sflag:s28] =	ssyncset.done $0x0  }
0xb1: {  	[sflag:s28] =	ssyncadd.s32 $0xFFFFF380  }
0xb2: {  	_ =	swait.ge [sflag:s28], $0xC80  }
0xb3: {  	[sflag:s28] =	ssyncset.done $0x0  }
0xb4: {  	[sflag:s28] =	ssyncadd.s32 $0xFFFFF380  }
0xb5: {  	_ =	swait.ge [sflag:s28], $0xC80  }
0xb6: {  	[sflag:s28] =	ssyncset.done $0x0  }
0xb7: {  	[sflag:s28] =	ssyncadd.s32 $0xFFFFF380  }
0xb8: {  	_ =	swait.ge [sflag:s28], $0xC80  }
0xb9: {  	[sflag:s28] =	ssyncset.done $0x0  }
0xba: {  	[sflag:s28] =	ssyncadd.s32 $0xFFFFF380  }
0xbb: {  	_ =	swait.ge [sflag:s28], $0xC80  }
0xbc: {  	[sflag:s28] =	ssyncset.done $0x0  }
0xbd: {  	[sflag:s28] =	ssyncadd.s32 $0xFFFFF380  }
0xbe: {  	_ =	swait.ge [sflag:s28], $0xC80  }
0xbf: {  	[sflag:s28] =	ssyncset.done $0x0  }
0xc0: {  	[sflag:s28] =	ssyncadd.s32 $0xFFFFF380  }
0xc1: {  	_ =	swait.ge [sflag:s28], $0xC80  }
0xc2: {  	[sflag:s28] =	ssyncset.done $0x0  }
0xc3: {  	[sflag:s28] =	ssyncadd.s32 $0xFFFFF380  }
0xc4: {  	_ =	swait.ge [sflag:s28], $0xC80  }
0xc5: {  	p0 =	seq.s32 s1, $0xD20;
	[sflag:s28] =	ssyncset.done $0x0  }
.Ltmp2:
0xc6: {  	[sflag:s28] =	ssyncadd.s32 $0xFFFFF380;
	(pc) =	sbr.rel @p0 .LBB2_4-.Ltmp2, $4  }
0xc7: {  	_ =	swait.ge [sflag:s28], $0xC80  }
0xc8: {  	[sflag:s28] =	ssyncset.done $0x0  }
0xc9: {  	s0 =	sadd.s32 $0x1900, s31;
	[sflag:s28] =	ssyncadd.s32 $0xFFFFF380  }
0xca: {  	[hbm4b:s0+s2] =	stream.linear.scatter [tilespmem:s18], [sflag:$0x4], $0xC800, $0x38;
	[tilespmem:$0x19700] =	vst v63  }
0xcb: {  	s0 =	sadd.s32 s1, s7  }
0xcc: {  	s5 =	sadd.s32 $0xE0, s0  }
0xcd: {  	[tilespmem:s2], [sflag:$0x5] =	stream.linear.gather [hbm4b:s5+s2], $0x380, $0x38;
	[tilespmem:$0x19700] =	vst v63  }
0xce: {  	_ =	swait.ge [sflag:s9], $0x380  }
0xcf: {  	[sflag:s9] =	ssyncset.done $0x0  }
0xd0: {  	[sflag:s9] =	ssyncadd.s32 $0xFFFFFC80  }
0xd1: {  	_ =	swait.ge [sflag:s29], $0xC800  }
0xd2: {  	[sflag:s29] =	ssyncset.done $0x0  }
0xd3: {  	[sflag:s29] =	ssyncadd.s32 $0xFFFF3800  }
0xd4: {  	[tilespmem:s11], [sflag:$0x1] =	stream.indirect.gather [hbm4b:s3+s10], $0x40, s2, s10, $0xb8;
	[tilespmem:$0x19700] =	vst v63  }
0xd5: {  	s6 =	simm.s32 $0x1380;
	s5 =	simm.s32 $0x38  }
0xd6: {  	[tilespmem:s6], [sflag:$0x1] =	stream.indirect.gather [hbm4b:s3+s10], $0x40, s5, s10, $0xb8;
	[tilespmem:$0x19700] =	vst v63  }
0xd7: {  	s5 =	simm.s32 $0x70;
	s6 =	simm.s32 $0x2000  }
0xd8: {  	[tilespmem:s6], [sflag:$0x1] =	stream.indirect.gather [hbm4b:s3+s10], $0x40, s5, s10, $0xb8;
	[tilespmem:$0x19700] =	vst v63  }
0xd9: {  	s5 =	simm.s32 $0xA8;
	s6 =	simm.s32 $0x2C80  }
0xda: {  	[tilespmem:s6], [sflag:$0x1] =	stream.indirect.gather [hbm4b:s3+s10], $0x40, s5, s10, $0xb8;
	[tilespmem:$0x19700] =	vst v63  }
0xdb: {  	s5 =	simm.s32 $0xE0;
	s6 =	simm.s32 $0x3900  }
0xdc: {  	[tilespmem:s6], [sflag:$0x1] =	stream.indirect.gather [hbm4b:s3+s10], $0x40, s5, s10, $0xb8;
	[tilespmem:$0x19700] =	vst v63  }
0xdd: {  	s5 =	simm.s32 $0x118;
	s6 =	simm.s32 $0x4580  }
0xde: {  	[tilespmem:s6], [sflag:$0x1] =	stream.indirect.gather [hbm4b:s3+s10], $0x40, s5, s10, $0xb8;
	[tilespmem:$0x19700] =	vst v63  }
0xdf: {  	s5 =	simm.s32 $0x150;
	s6 =	simm.s32 $0x5200  }
0xe0: {  	[tilespmem:s6], [sflag:$0x1] =	stream.indirect.gather [hbm4b:s3+s10], $0x40, s5, s10, $0xb8;
	[tilespmem:$0x19700] =	vst v63  }
0xe1: {  	s5 =	simm.s32 $0x188;
	s6 =	simm.s32 $0x5E80  }
0xe2: {  	[tilespmem:s6], [sflag:$0x1] =	stream.indirect.gather [hbm4b:s3+s10], $0x40, s5, s10, $0xb8;
	[tilespmem:$0x19700] =	vst v63  }
0xe3: {  	s5 =	simm.s32 $0x1C0;
	s6 =	simm.s32 $0x6B00  }
0xe4: {  	[tilespmem:s6], [sflag:$0x1] =	stream.indirect.gather [hbm4b:s3+s10], $0x40, s5, s10, $0xb8;
	[tilespmem:$0x19700] =	vst v63  }
0xe5: {  	s5 =	simm.s32 $0x1F8;
	s6 =	simm.s32 $0x7780  }
0xe6: {  	[tilespmem:s6], [sflag:$0x1] =	stream.indirect.gather [hbm4b:s3+s10], $0x40, s5, s10, $0xb8;
	[tilespmem:$0x19700] =	vst v63  }
0xe7: {  	s5 =	simm.s32 $0x230;
	s6 =	simm.s32 $0x8400  }
0xe8: {  	[tilespmem:s6], [sflag:$0x1] =	stream.indirect.gather [hbm4b:s3+s10], $0x40, s5, s10, $0xb8;
	[tilespmem:$0x19700] =	vst v63  }
0xe9: {  	s5 =	simm.s32 $0x268;
	s6 =	simm.s32 $0x9080  }
0xea: {  	[tilespmem:s6], [sflag:$0x1] =	stream.indirect.gather [hbm4b:s3+s10], $0x40, s5, s10, $0xb8;
	[tilespmem:$0x19700] =	vst v63  }
0xeb: {  	s5 =	simm.s32 $0x2A0;
	s6 =	simm.s32 $0x9D00  }
0xec: {  	[tilespmem:s6], [sflag:$0x1] =	stream.indirect.gather [hbm4b:s3+s10], $0x40, s5, s10, $0xb8;
	[tilespmem:$0x19700] =	vst v63  }
0xed: {  	s5 =	simm.s32 $0x2D8;
	s6 =	simm.s32 $0xA980  }
0xee: {  	[tilespmem:s6], [sflag:$0x1] =	stream.indirect.gather [hbm4b:s3+s10], $0x40, s5, s10, $0xb8;
	[tilespmem:$0x19700] =	vst v63  }
0xef: {  	s5 =	simm.s32 $0x310;
	s6 =	simm.s32 $0xB600  }
0xf0: {  	[tilespmem:s6], [sflag:$0x1] =	stream.indirect.gather [hbm4b:s3+s10], $0x40, s5, s10, $0xb8;
	[tilespmem:$0x19700] =	vst v63  }
0xf1: {  	s5 =	simm.s32 $0x348;
	s6 =	simm.s32 $0xC280  }
0xf2: {  	[tilespmem:s6], [sflag:$0x1] =	stream.indirect.gather [hbm4b:s3+s10], $0x40, s5, s10, $0xb8;
	[tilespmem:$0x19700] =	vst v63  }
0xf3: {  	s0 =	sadd.s32 $0x150, s0  }
0xf4: {  	[tilespmem:s17], [sflag:$0x5] =	stream.linear.gather [hbm4b:s0+s2], $0x380, $0x38;
	[tilespmem:$0x19700] =	vst v63  }
0xf5: {  	_ =	swait.ge [sflag:s9], $0x380  }
0xf6: {  	[sflag:s9] =	ssyncset.done $0x0  }
0xf7: {  	[sflag:s9] =	ssyncadd.s32 $0xFFFFFC80  }
0xf8: {  	_ =	swait.ge [sflag:s30], $0xC800  }
0xf9: {  	[sflag:s30] =	ssyncset.done $0x0  }
0xfa: {  	[sflag:s30] =	ssyncadd.s32 $0xFFFF3800  }
0xfb: {  	[tilespmem:s18], [sflag:$0x2] =	stream.indirect.gather [hbm4b:s3+s10], $0x40, s17, s10, $0xb8;
	[tilespmem:$0x19700] =	vst v63  }
0xfc: {  	s5 =	simm.s32 $0x3B8;
	s6 =	simm.s32 $0xDB80  }
0xfd: {  	[tilespmem:s6], [sflag:$0x2] =	stream.indirect.gather [hbm4b:s3+s10], $0x40, s5, s10, $0xb8;
	[tilespmem:$0x19700] =	vst v63  }
0xfe: {  	s5 =	simm.s32 $0x3F0;
	s6 =	simm.s32 $0xE800  }
0xff: {  	[tilespmem:s6], [sflag:$0x2] =	stream.indirect.gather [hbm4b:s3+s10], $0x40, s5, s10, $0xb8;
	[tilespmem:$0x19700] =	vst v63  }
0x100: {  	s5 =	simm.s32 $0x428;
	s6 =	simm.s32 $0xF480  }
0x101: {  	[tilespmem:s6], [sflag:$0x2] =	stream.indirect.gather [hbm4b:s3+s10], $0x40, s5, s10, $0xb8;
	[tilespmem:$0x19700] =	vst v63  }
0x102: {  	s5 =	simm.s32 $0x460;
	s6 =	simm.s32 $0x10100  }
0x103: {  	[tilespmem:s6], [sflag:$0x2] =	stream.indirect.gather [hbm4b:s3+s10], $0x40, s5, s10, $0xb8;
	[tilespmem:$0x19700] =	vst v63  }
0x104: {  	s5 =	simm.s32 $0x498;
	s6 =	simm.s32 $0x10D80  }
0x105: {  	[tilespmem:s6], [sflag:$0x2] =	stream.indirect.gather [hbm4b:s3+s10], $0x40, s5, s10, $0xb8;
	[tilespmem:$0x19700] =	vst v63  }
0x106: {  	s5 =	simm.s32 $0x4D0;
	s6 =	simm.s32 $0x11A00  }
0x107: {  	[tilespmem:s6], [sflag:$0x2] =	stream.indirect.gather [hbm4b:s3+s10], $0x40, s5, s10, $0xb8;
	[tilespmem:$0x19700] =	vst v63  }
0x108: {  	s5 =	simm.s32 $0x508;
	s6 =	simm.s32 $0x12680  }
0x109: {  	[tilespmem:s6], [sflag:$0x2] =	stream.indirect.gather [hbm4b:s3+s10], $0x40, s5, s10, $0xb8;
	[tilespmem:$0x19700] =	vst v63  }
0x10a: {  	s5 =	simm.s32 $0x540;
	s6 =	simm.s32 $0x13300  }
0x10b: {  	[tilespmem:s6], [sflag:$0x2] =	stream.indirect.gather [hbm4b:s3+s10], $0x40, s5, s10, $0xb8;
	[tilespmem:$0x19700] =	vst v63  }
0x10c: {  	_ = 	snop  }
0x10d: {  	[tilespmem:s8], [sflag:$0x2] =	stream.indirect.gather [hbm4b:s3+s10], $0x40, s4, s10, $0xb8;
	[tilespmem:$0x19700] =	vst v63  }
0x10e: {  	_ = 	snop  }
0x10f: {  	[tilespmem:s13], [sflag:$0x2] =	stream.indirect.gather [hbm4b:s3+s10], $0x40, s12, s10, $0xb8;
	[tilespmem:$0x19700] =	vst v63  }
0x110: {  	_ = 	snop  }
0x111: {  	[tilespmem:s15], [sflag:$0x2] =	stream.indirect.gather [hbm4b:s3+s10], $0x40, s14, s10, $0xb8;
	[tilespmem:$0x19700] =	vst v63  }
0x112: {  	_ = 	snop  }
0x113: {  	[tilespmem:s19], [sflag:$0x2] =	stream.indirect.gather [hbm4b:s3+s10], $0x40, s16, s10, $0xb8;
	[tilespmem:$0x19700] =	vst v63  }
0x114: {  	_ = 	snop  }
0x115: {  	[tilespmem:s21], [sflag:$0x2] =	stream.indirect.gather [hbm4b:s3+s10], $0x40, s20, s10, $0xb8;
	[tilespmem:$0x19700] =	vst v63  }
.Ltmp3:
0x116: {  	_ = 	snop;
	(pc) =	sbr.rel .LBB2_2-.Ltmp3, $4  }
0x117: {  	_ = 	snop  }
0x118: {  	[tilespmem:s23], [sflag:$0x2] =	stream.indirect.gather [hbm4b:s3+s10], $0x40, s22, s10, $0xb8;
	[tilespmem:$0x19700] =	vst v63  }
0x119: {  	s1 =	sadd.s32 $0xE0, s1;
	s31 =	sadd.s32 $0x3200, s31  }
0x11a: {  	[tilespmem:s25], [sflag:$0x2] =	stream.indirect.gather [hbm4b:s3+s10], $0x40, s24, s10, $0xb8;
	[tilespmem:$0x19700] =	vst v63  }
.LBB2_5:
0x11b: {  	_ =	sfence.sel $0x180000  }
0x11c: {  	[bflag:$0x0] =	sbarrier.arrive $0xFFFF  }
0x11d: {  	_ =	strace $0x90000047  }
0x11e: {  	s0 =	stileid.u32;
	[bflag:$0x2] =	sbarrier.arrive $0xFFFF  }
0x11f: {  	p0 =	sne.s32 s0, $0x0;
	s0 =	rddreg [dreg:$0x2]  }
0x120: {  	s0 =	sadd.s32 @!p0 $0x100000, s0  }
0x121: {  	[sflag:s0] =	ssyncadd.tile.s32 @!p0 $0x1;
	_ =	shalt  }
.Lfunc_end2:
_tile_overlayer_lowered:
.L_overlay_start_2:
0x122: {  	(tag) =	ssettag $0x2  }
0x123: {  	s0 =	rddreg [dreg:$0x0];
	s2 =	stileid.u32  }
0x124: {  	s1 =	rddreg [dreg:$0x1];
	p0 =	sne.s32 s2, $0x0  }
0x125: {  	s3 =	rddreg [dreg:$0x2];
	[bflag:$0x3] =	sbarrier.arrive $0xFFFF;
	s2 =	simm.s32 @!p0 $0x1C05  }
0x126: {  	[timem:s3], [sflag:s2] =	dma.local @!p0 [hbm:s0], s1  }
0x127: {  	s0 =	simm.s32 @!p0 $0x5  }
0x128: {  	_ =	swait.ge @!p0 [sflag:s0], s1  }
0x129: {  	s1 =	ssub.s32 @!p0 $0x0, s1;
	[sflag:s0] =	ssyncset.done @!p0 $0x0  }
0x12a: {  	[sflag:s0] =	ssyncadd.s32 @!p0 s1  }
0x12b: {  	[bflag:$0x3] =	sbarrier.arrive $0xFFFF  }
0x12c: {  	_ =	shalt  }

// kernel: sparse-core-data-format-call.cloned.1.call-start
scs
called_computation_lowered:
.L_overlay_start_0:
0x0: {  	s2 =	sld [smem:$0x3FD9]  }
0x1: {  	s3 =	sld [smem:$0x3FFE];
	_ =	sdelay $0x1  }
0x2: {  	s1 =	srdreg.scid  }
0x3: {  	s0 =	sand.u32 $0x1, s1  }
0x4: {  	s18 =	sshll.u32 s0, $0xA;
	s2 =	sadd.s32 s3, s2  }
0x5: {  	s2 =	sadd.s32 s2, s18  }
0x6: {  	[smem:$0x3FC6] =	sst s2  }
0x7: {  	_ = 	snop  }
0x8: {  	s2 =	sld [smem:$0x3FD0];
	(tm) =	ssettm $0x1  }
0x9: {  	s19 =	sld [smem:$0x3FFB];
	_ =	sdelay $0x3  }
0xa: {  	_ =	strace s19  }
0xb: {  	s3 =	sld [smem:$0x3FFC];
	_ =	sdelay $0x3  }
0xc: {  	_ =	strace s3  }
0xd: {  	s3 =	sld [smem:$0x3FFD];
	_ =	sdelay $0x3  }
0xe: {  	_ =	strace s3  }
0xf: {  	_ =	strace $0x8FFFFFFF  }
0x10: {  	s20 =	sld [smem:$0x3FDB];
	_ =	sdelay $0x1  }
0x11: {  	s4 =	simm.s32 $_scs_section_size  }
0x12: {  	s5 =	simm.s32 $_size__tile_overlayer_lowered;
	s6 =	simm.s32 $_tile_overlayer_lowered  }
0x13: {  	s23 =	simm.s32 $0x1BFF;
	s22 =	sshll.u32 s6, $0x1;
	s3 =	sadd.s32 s4, s20  }
0x14: {  	s7 =	simm.s32 $0x0;
	s21 =	sshll.u32 s5, $0x1;
	s5 =	sadd.s32 s22, s3  }
0x15: {  	[timem:s7], [sflag:s23] =	dma.local [hbm:s5], s21  }
0x16: {  	_ =	swait.ge [sflag:s23], s21  }
0x17: {  	s4 =	ssub.s32 $0x0, s21;
	[sflag:s23] =	ssyncset.done $0x0  }
0x18: {  	[sflag:s23] =	ssyncadd.s32 s4;
	_ =	sdelay $0x1  }
0x19: {  	s24 =	simm.s32 $0x1B8B  }
0x1a: {  	_ =	swait.ge [sflag:s24], $0x1  }
0x1b: {  	[sflag:s24] =	ssyncset.done $0x0  }
0x1c: {  	s26 =	simm.s32 $0x1B8E;
	s25 =	sld [smem:$0x3FFE];
	[sflag:s24] =	ssyncadd.s32 $0xFFFFFFFF  }
0x1d: {  	s27 =	simm.s32 $execute0_lowered;
	[smem:$0x3FD2] =	sst s26  }
0x1e: {  	s5 =	sshll.u32 s27, $0x1;
	_ =	strace $0x80000049;
	[dreg:$0x1] =	wrdreg $0xFFFFFFFF  }
0x1f: {  	s28 =	simm.s32 $_size_execute0_lowered;
	s3 =	sadd.s32 s3, s5;
	[dreg:$0x0] =	wrdreg $0x0  }
0x20: {  	s5 =	sshll.u32 s28, $0x1;
	[dreg:$0x2] =	wrdreg s3  }
0x21: {  	[dreg:$0x3] =	wrdreg s5  }
0x22: {  	[dreg:$0x4] =	wrdreg $0xC0  }
0x23: {  	_ =	task [dreg:s7], $0x5FFFF  }
0x24: {  	[dreg:$0x1] =	wrdreg $0xFFFFFFFF  }
0x25: {  	[dreg:$0x0] =	wrdreg $0x60  }
0x26: {  	[dreg:$0x2] =	wrdreg s25  }
0x27: {  	[dreg:$0x3] =	wrdreg s2  }
0x28: {  	[dreg:$0x4] =	wrdreg $0x9  }
0x29: {  	_ =	task.clear_ibuf [dreg:s7], $0x5FFFF;
	_ =	strace $0x90000049  }
0x2a: {  	s29 =	simm.s32 $0x9;
	_ =	strace $0x8000004B  }
0x2b: {  	_ =	swait.ge [sflag:s29], $0x1  }
0x2c: {  	[sflag:s29] =	ssyncadd.s32 $0xFFFFFFFF  }
0x2d: {  	_ =	strace $0x9000004B  }
0x2e: {  	_ =	sfence  }
0x2f: {  	s30 =	sld [smem:$0x0];
	_ =	sdelay $0x2  }
0x30: {  	s31 =	sshll.u32 s1, $0xD;
	s1 =	sshrl.u32 s1, $0x2  }
0x31: {  	s3 =	sand.u32 $0x4000, s31;
	s1 =	sadd.s32 s1, s30  }
0x32: {  	s0 =	sor.u32 s3, s0;
	s1 =	sshll.u32 s1, $0x11  }
0x33: {  	s0 =	sor.u32 s1, s0  }
0x34: {  	s0 =	sadd.s32 $0x8F2B, s0  }
0x35: {  	[sflag:s0] =	ssyncadd.remote.s32 $0x1  }
0x36: {  	_ =	sfence.sel $0xFFFF  }
0x37: {  	[dreg:$0x0] =	wrdreg $0xFFFFFFFF;
	(pc) =	sbr.abs _section_cstart, $3  }
0x38: {  	[dreg:$0x1] =	wrdreg $0xFFFFFFFF  }
0x39: {  	_ =	task.clear_ibuf [dreg:s7], $0x2FFFF;
	_ =	strace $0x9FFFFFFF  }
0x3a: {  	(tm) =	ssettm $0x7FFFFFFF  }
0x3b: {  	_ =	shalt  }
tec
execute0_lowered:
.L_overlay_start_1:
0x0: {  	(tag) =	ssettag $0x1  }
0x1: {  	s0 =	srdreg.scid  }
0x2: {  	s1 =	sshll.u32 s0, $0x4  }
0x3: {  	s0 =	stileid.u32;
	s1 =	sand.u32 $0x10, s1  }
0x4: {  	s1 =	sor.u32 s0, s1  }
0x5: {  	s6 =	rddreg [dreg:$0x0];
	s4 =	simm.s32 $0x1;
	s2 =	sshll.u32 s1, $0x7  }
0x6: {  	s7 =	simm.s32 $0x2;
	s12 =	simm.s32 $0x0;
	s1 =	ssub.s32 $0x4000, s2  }
0x7: {  	s8 =	simm.s32 $0x20000;
	s13 =	simm.s32 $0x0;
	s3 =	sand.u32 $0xF80, s1  }
0x8: {  	s9 =	simm.s32 $0x0;
	s5 =	sshrl.u32 s1, $0xC;
	p0 =	sne.s32 s3, $0x0  }
.Ltmp0:
0x9: {  	s1 =	rddreg [dreg:$0x2];
	s4 =	simm.s32 @!p0 $0x0;
	(pc) =	sbr.rel .LBB1_1-.Ltmp0, $4  }
0xa: {  	s11 =	simm.s32 $0x0;
	s3 =	rddreg [dreg:$0x1];
	s5 =	sadd.s32 s4, s5  }
0xb: {  	_ =	strace $0x8000004A;
	s4 =	simm.s32 $0x1;
	s5 =	smul.u32 $0x32, s5  }
0xc: {  	s6 =	sadd.s32 $0xA00, s6;
	s10 =	smov.u32 s2;
	[sflag:s4] =	ssyncpa.u1 $0x0  }
0xd: {  	p0 =	por $0x0, $0x0;
	[sflag:s7] =	ssyncpa.u1 $0x0;
	s7 =	sor.u32 $0x1, s5  }
.LBB1_4:
0xe: {  	s16 =	sshll.u32 s13, $0x3;
	s17 =	sand.u32 $0x78, s13  }
0xf: {  	s30 =	sand.u32 $0x1F800, s13;
	s12 =	sshll.u32 s12, $0x11;
	s16 =	sand.u32 $0x3C00, s16  }
0x10: {  	[tilespmem:s15+$0x810 ss:$0x81] =	vst.msk $0xffff, v2;
	s31 =	sand.u32 $0x7, s13;
	s16 =	sor.u32 s17, s16;
	s17 =	sadd.s32 s3, s30  }
0x11: {  	[tilespmem:s15+$0x1020 ss:$0x81] =	vst.msk $0xffff, v0;
	s13 =	sshll.u32 s31, $0x12;
	s12 =	sadd.s32 s12, s17;
	s16 =	sshrl.u32 s16, $0x3  }
0x12: {  	[tilespmem:s15+$0x0 ss:$0x81] =	vst.msk $0xffff, v1;
	s13 =	sor.u32 $0x400, s13;
	s12 =	sadd.s32 s16, s12  }
0x13: {  	[hbm4b:s12+s13] =	stream.strided.scatter [tilespmem:s14], [sflag:$0x2], $0x2000, s8, s13, $0x20;
	[tilespmem:$0x8080] =	vst v63  }
.LBB1_5:
0x14: {  	s14 =	sadd.s32 $0x1, s9  }
0x15: {  	s12 =	sadd.s32 $0x1000, s10;
	s16 =	smov.u32 s10;
	p2 =	sgt.s32 s14, $0x31  }
0x16: {  	s16 =	smov.u32 @p2 s12  }
0x17: {  	s14 =	simm.s32 @p2 $0x0;
	p2 =	sgt.s32 s16, $0x3FFF  }
0x18: {  	s16 =	smov.u32 @p2 s2;
	p2 =	sne.s32 s11, s7  }
.Ltmp1:
0x19: {  	p1 =	slt.u32 s11, $0x2;
	(pc) =	sbr.rel @!p2 .LBB1_6-.Ltmp1, $4  }
0x1a: {  	s15 =	simm.s32 @!p1 $0x2  }
0x1b: {  	s13 =	smov.u32 s10;
	p0 =	por !p0, !p0;
	_ =	swait.ge @!p1 [sflag:s15], $0x2000  }
0x1c: {  	s12 =	smov.u32 s9;
	[sflag:s15] =	ssyncset.done @!p1 $0x0;
	s9 =	smov.u32 s14  }
0x1d: {  	s11 =	sadd.s32 $0x1, s11;
	[sflag:s15] =	ssyncadd.s32 @!p1 $0xFFFFE000;
	s10 =	smov.u32 s16  }
.LBB1_1:
0x1e: {  	p1 =	sge.u32 s11, s5  }
0x1f: {  	s14 =	sand.u32 @!p1 $0x1FFFFFF, s9  }
0x20: {  	s15 =	smulhi.u32 @!p1 $0x4924925, s14;
	_ =	sdelay $0x1  }
0x21: {  	s15 =	smul.u32 @!p1 $0x38, s15  }
0x22: {  	s16 =	sxor.u32 @!p1 $0xFFFFFFFF, s11;
	s17 =	smul.u32 @!p1 $0x380, s10  }
0x23: {  	s31 =	sadd.s32 $0xFFFFFFFF, s11;
	s16 =	sshll.u32 @!p1 s16, $0xD;
	s14 =	ssub.s32 @!p1 s14, s15  }
0x24: {  	s15 =	sand.u32 @!p1 $0x2000, s16;
	s16 =	sadd.s32 @!p1 s6, s17;
	s14 =	sshll.u32 @!p1 s14, $0x4  }
0x25: {  	s17 =	simm.s32 @!p1 $0x1C00;
	s14 =	sadd.s32 @!p1 s14, s16;
	s16 =	simm.s32 @!p1 $0x40  }
0x26: {  	[tilespmem:s15], [sflag:$0x1] =	stream.strided.gather @!p1 [hbm4b:s14+s16], $0x2000, s17, s16, $0x38;
	[tilespmem:$0x8080] =	vst v63  }
0x27: {  	p1 =	sge.u32 s31, s5  }
.Ltmp2:
0x28: {  	_ = 	snop;
	(pc) =	sbr.rel @p1 .LBB1_5-.Ltmp2, $1  }
0x29: {  	_ =	sdelay $0x3  }
0x2a: {  	s14 =	simm.s32 $0x1  }
0x2b: {  	_ =	swait.ge [sflag:s4], $0x2000;
	s14 =	simm.s32 @!p0 $0x0  }
0x2c: {  	[sflag:s4] =	ssyncset.done $0x0;
	s15 =	sshll.u32 s14, $0xD  }
0x2d: {  	[sflag:s4] =	ssyncadd.s32 $0xFFFFE000;
	s18 =	sor.u32 $0x20, s15  }
0x2e: {  	s14 =	smul.u32 $0x8100, s14;
	v3 =	vld [tilespmem:s18+$0x10]  }
0x2f: {  	s30 =	sand.u32 $0x1, s11;
	v2 =	vld [tilespmem:s18+$0xFFFFFFF0]  }
0x30: {  	s15 =	smul.u32 $0x8100, s30;
	s14 =	sshrl.u32 s14, $0x2;
	v0 =	vld [tilespmem:s18+$0x0]  }
0x31: {  	v1 =	vld [tilespmem:s18+$0xFFFFFFE0];
	s16 =	sor.u32 $0x4000, s14  }
0x32: {  	s31 =	sshrl.u32 s15, $0x2;
	s15 =	sadd.s32 $0x0, s16  }
0x33: {  	s17 =	simm.s32 $0x4;
	s18 =	sadd.s32 $0x40, s18;
	s14 =	sor.u32 $0x4000, s31;
	[tilespmem:s15+$0x1830 ss:$0x81] =	vst.msk $0xffff, v3  }
.LBB1_3:
0x34: {  	v3 =	vld [tilespmem:s18+$0x10];
	p1 =	sne.s32 s17, $0x1FC;
	[tilespmem:s15+$0x810 ss:$0x81] =	vst.msk $0xffff, v2;
	s19 =	smov.u32 s17;
	s17 =	sadd.s32 $0x4, s17  }
.Ltmp3:
0x35: {  	v2 =	vld [tilespmem:s18+$0xFFFFFFF0];
	[tilespmem:s15+$0x1020 ss:$0x81] =	vst.msk $0xffff, v0;
	(pc) =	sbr.rel @p1 .LBB1_3-.Ltmp3, $4  }
0x36: {  	v0 =	vld [tilespmem:s18+$0x0];
	[tilespmem:s15+$0x0 ss:$0x81] =	vst.msk $0xffff, v1  }
0x37: {  	s15 =	sshra.s32 s19, $0x2;
	v1 =	vld [tilespmem:s18+$0xFFFFFFE0]  }
0x38: {  	s15 =	sadd.s32 s15, s16  }
0x39: {  	s18 =	sadd.s32 $0x40, s18;
	[tilespmem:s15+$0x1830 ss:$0x81] =	vst.msk $0xffff, v3  }
.Ltmp4:
0x3a: {  	_ = 	snop;
	(pc) =	sbr.rel .LBB1_4-.Ltmp4, $1  }
0x3b: {  	_ =	sdelay $0x3  }
.LBB1_6:
0x3c: {  	_ =	sfence.sel $0x180000  }
0x3d: {  	s2 =	simm.s32 $0x1;
	[bflag:$0x0] =	sbarrier.arrive $0xFFFF  }
0x3e: {  	s31 =	simm.s32 $0x2;
	[sflag:s2] =	ssyncpa.u1 $0x1  }
0x3f: {  	[sflag:s31] =	ssyncpa.u1 $0x1  }
0x40: {  	p0 =	sne.s32 s0, $0x0;
	_ =	strace $0x9000004A  }
0x41: {  	s0 =	sadd.s32 @!p0 $0x100000, s1;
	[bflag:$0x2] =	sbarrier.arrive $0xFFFF  }
0x42: {  	[sflag:s0] =	ssyncadd.tile.s32 @!p0 $0x1;
	_ =	shalt  }
.Lfunc_end1:
_tile_overlayer_lowered:
.L_overlay_start_2:
0x43: {  	(tag) =	ssettag $0x2  }
0x44: {  	s0 =	rddreg [dreg:$0x0];
	s2 =	stileid.u32  }
0x45: {  	s1 =	rddreg [dreg:$0x1];
	p0 =	sne.s32 s2, $0x0  }
0x46: {  	s3 =	rddreg [dreg:$0x2];
	[bflag:$0x3] =	sbarrier.arrive $0xFFFF;
	s2 =	simm.s32 @!p0 $0x1C01  }
0x47: {  	[timem:s3], [sflag:s2] =	dma.local @!p0 [hbm:s0], s1  }
0x48: {  	s0 =	simm.s32 @!p0 $0x1  }
0x49: {  	_ =	swait.ge @!p0 [sflag:s0], s1  }
0x4a: {  	s1 =	ssub.s32 @!p0 $0x0, s1;
	[sflag:s0] =	ssyncset.done @!p0 $0x0  }
0x4b: {  	[sflag:s0] =	ssyncadd.s32 @!p0 s1  }
0x4c: {  	[bflag:$0x3] =	sbarrier.arrive $0xFFFF  }
0x4d: {  	_ =	shalt  }

</sc_bundles>
